<compile_context>
chip_gen: v7x
topology: tpu7x:2x2x1
jax: 0.10.2.dev20260603
libtpu: 0.0.44.dev20260713+nightly
codegen_flags: <defaults>
</compile_context>

<pallas_src>
import functools

import jax
import jax.numpy as jnp
from jax import lax
from jax.experimental import pallas as pl
from jax.experimental.pallas import tpu as pltpu
from jax.experimental.pallas import tpu_sc as plsc

MAXV = 147
KPAD = 160
SCKP = 448
DBLK = 16
B_SC = 128


def _tc_body(idx_ref, tab_ref, out_ref, *, t_imgs, n_chan, kpad, pixels):
    iota = jax.lax.broadcasted_iota(jnp.int32, (kpad, pixels), 0)
    iota_bf = iota.astype(jnp.bfloat16)
    one = jnp.bfloat16(1.0)
    zero = jnp.bfloat16(0.0)
    for t in range(t_imgs):
        hots = []
        for c in range(n_chan):
            idx_bf = idx_ref[t, c, :].astype(jnp.bfloat16)
            d = iota_bf - idx_bf[None, :]
            hots.append(jnp.maximum(one - jnp.abs(d), zero))
        onehot = jnp.concatenate(hots, axis=0)
        out_ref[t] = jnp.dot(tab_ref[...], onehot,
                             preferred_element_type=jnp.float32)


def _sc_body(tab_hbm, idx_hbm, out_hbm, tab_v, idx_v, row_v, *,
             b_per_w, n_chan, pixels, d_dim):
    wid = lax.axis_index("s") * plsc.get_sparse_core_info().num_cores \
        + lax.axis_index("c")
    pltpu.sync_copy(tab_hbm, tab_v)

    def per_image(bi, _):
        b = wid * b_per_w + bi
        pltpu.sync_copy(idx_hbm.at[b], idx_v)

        def per_dblk(db, _):
            def per_d(dl, _):
                d = db * DBLK + dl

                def per_chunk(k, _):
                    acc = jnp.zeros((16,), jnp.float32)
                    base = (d * SCKP).astype(jnp.int32)
                    for c in range(n_chan):
                        iv = idx_v[c, pl.ds(k * 16, 16)]
                        acc = acc + plsc.load_gather(tab_v, [base + iv])
                    row_v[dl, pl.ds(k * 16, 16)] = acc
                    return 0

                lax.fori_loop(0, pixels // 16, per_chunk, 0)
                return 0

            lax.fori_loop(0, DBLK, per_d, 0)
            pltpu.sync_copy(row_v, out_hbm.at[b, pl.ds(db * DBLK, DBLK)])
            return 0

        lax.fori_loop(0, d_dim // DBLK, per_dblk, 0)
        return 0

    lax.fori_loop(0, b_per_w, per_image, 0)


@jax.jit
def kernel(inputs, table):
    B, C, H, W = inputs.shape
    V, D = table.shape
    P = H * W
    maxv = V // C

    idx = inputs.astype(jnp.int32).reshape(B, C, P)
    b_tc = B - B_SC

    tab = table.reshape(C, maxv, D)
    tab = jnp.pad(tab, ((0, 0), (0, KPAD - maxv), (0, 0)))
    tabT = jnp.transpose(tab, (2, 0, 1)).reshape(D, C * KPAD)
    tabT = tabT.astype(jnp.bfloat16)

    T = 32
    out_tc = pl.pallas_call(
        functools.partial(_tc_body, t_imgs=T, n_chan=C, kpad=KPAD, pixels=P),
        grid=(b_tc // T,),
        in_specs=[
            pl.BlockSpec((T, C, P), lambda i: (i, 0, 0)),
            pl.BlockSpec((D, C * KPAD), lambda i: (0, 0)),
        ],
        out_specs=pl.BlockSpec((T, D, P), lambda i: (i, 0, 0)),
        out_shape=jax.ShapeDtypeStruct((b_tc, D, P), jnp.float32),
        compiler_params=pltpu.CompilerParams(
            dimension_semantics=("parallel",)),
    )(idx[:b_tc], tabT)

    tabF = jnp.pad(table.T, ((0, 0), (0, SCKP - V))).reshape(-1)
    offs = (jnp.arange(C, dtype=jnp.int32) * maxv)[None, :, None]
    idx_sc = idx[b_tc:] + offs

    info = plsc.get_sparse_core_info()
    nw = info.num_cores * info.num_subcores
    sc = functools.partial(
        pl.kernel,
        mesh=plsc.VectorSubcoreMesh(core_axis_name="c", subcore_axis_name="s"),
        out_type=jax.ShapeDtypeStruct((B_SC, D, P), jnp.float32),
        scratch_types=[
            pltpu.VMEM((D * SCKP,), jnp.float32),
            pltpu.VMEM((C, P), jnp.int32),
            pltpu.VMEM((DBLK, P), jnp.float32),
        ],
        compiler_params=pltpu.CompilerParams(needs_layout_passes=False),
    )
    body = functools.partial(
        _sc_body, b_per_w=B_SC // nw, n_chan=C, pixels=P, d_dim=D)
    out_sc = sc(body)(tabF, idx_sc)

    out = jnp.concatenate([out_tc, out_sc], axis=0)
    return out.reshape(B, D, H, W)

# --- scband reference (transcript-rebuilt; emitter-appended) ---
"""Pipeline reference for scband-image-bowembedding-63934883169079 (READ-ONLY COPY).

The authoritative reference and input builder live on the scoring server;
editing this copy changes nothing except your own understanding.
"""

import jax, jax.numpy as jnp
import numpy as np

MAX_VALUE = 147
EMBED_DIM = 128
B, C, H, W = 1024, 3, 32, 32

def setup_inputs(seed: int = 0) -> dict:
    key = jax.random.key(seed)
    k1, k2 = jax.random.split(key)
    inputs = jax.random.randint(k1, (B, C, H, W), 0, MAX_VALUE, dtype=jnp.int64)
    table = jax.random.normal(k2, (3 * MAX_VALUE, EMBED_DIM), dtype=jnp.float32)
    return {"inputs": inputs, "table": table}

def reference(inputs, table):
    # offsets per channel: [0, max_value, 2*max_value]
    offsets = jnp.array([0, MAX_VALUE, 2 * MAX_VALUE], dtype=inputs.dtype)
    idx = inputs + offsets[None, :, None, None]          # [B, 3, H, W]
    emb = jnp.take(table, idx, axis=0)                    # [B, 3, H, W, D]
    out = emb.sum(axis=1)                                 # [B, H, W, D]
    out = jnp.transpose(out, (0, 3, 1, 2))                # [B, D, H, W]
    return out

if __name__ == "__main__":
    import jax
    _d = setup_inputs()
    print(jax.jit(kernel)(*tuple(_d.values())))

</pallas_src>

<mosaic_0001>
#map = affine_map<(d0, d1) -> (0)>
#map1 = affine_map<(d0, d1) -> (0, 0, 0)>
module attributes {stable_mosaic.version = 14 : i64} {
  func.func @_sc_body(%arg0: i32, %arg1: i32, %arg2: memref<57344xf32, #tpu.memory_space<hbm>>, %arg3: memref<128x3x1024xi32, #tpu.memory_space<hbm>>, %arg4: memref<128x128x1024xf32, #tpu.memory_space<hbm>>, %arg5: memref<57344xf32, #tpu.memory_space<vmem>>, %arg6: memref<3x1024xi32, #tpu.memory_space<vmem>>, %arg7: memref<16x1024xf32, #tpu.memory_space<vmem>>) attributes {dimension_semantics = [#tpu.dimension_semantics<core_parallel>, #tpu.dimension_semantics<subcore_parallel>], iteration_bounds = array<i64: 2, 16>, scalar_prefetch = 0 : i64, scratch_operands = 3 : i64, tpu.core_type = #tpu.core_type<sc_vector_subcore>, window_params = [{transform_indices = #map}, {transform_indices = #map1}, {transform_indices = #map1}]} {
    %mul3A = arith.constant 2 : i32
    %mul3A_0 = arith.muli %arg1, %mul3A : i32
    %add3A = arith.addi %mul3A_0, %arg0 : i32
    "tpu.region"() ({
      %run_scoped3A = tpu.sem_alloc : memref<!tpu.dma_semaphore, #tpu.memory_space<semaphore_mem>>
      tpu.enqueue_dma source(%arg2 : memref<57344xf32, #tpu.memory_space<hbm>>) target(%arg5 : memref<57344xf32, #tpu.memory_space<vmem>>) target_semaphore(%run_scoped3A : memref<!tpu.dma_semaphore, #tpu.memory_space<semaphore_mem>>)
      tpu.wait_dma2 semaphore(%run_scoped3A : memref<!tpu.dma_semaphore, #tpu.memory_space<semaphore_mem>>) src(%arg2 : memref<57344xf32, #tpu.memory_space<hbm>>) dst(%arg5 : memref<57344xf32, #tpu.memory_space<vmem>>)
      tpu.yield
    }) : () -> ()
    %scan3A = arith.constant 0 : i32
    %scan3A_1 = arith.constant 0 : i32
    %scan3A_2 = arith.constant 4 : i32
    %scan3A_3 = arith.addi %scan3A_1, %scan3A_2 : i32
    %scan3A_4 = arith.constant 1 : i32
    %scan3A_5 = scf.for %scan3A_7 = %scan3A_1 to %scan3A_3 step %scan3A_4 iter_args(%scan3A_8 = %scan3A) -> (i32)  : i32 {
      %mul3A_9 = arith.constant 4 : i32
      %mul3A_10 = arith.muli %add3A, %mul3A_9 : i32
      %add3A_11 = arith.addi %mul3A_10, %scan3A_7 : i32
      "tpu.region"() ({
        %run_scoped3A = tpu.sem_alloc : memref<!tpu.dma_semaphore, #tpu.memory_space<semaphore_mem>>
        %dma_start3A = arith.constant 0 : i32
        %dma_start3A_20 = arith.constant 0 : i32
        %dma_start3A_21 = tpu.memref_slice %arg3[%add3A_11, %dma_start3A, %dma_start3A_20] : memref<128x3x1024xi32, #tpu.memory_space<hbm>> -> memref<1x3x1024xi32, #tpu.memory_space<hbm>>
        %dma_start3A_22 = tpu.memref_squeeze %dma_start3A_21 : memref<1x3x1024xi32, #tpu.memory_space<hbm>> -> memref<3x1024xi32, #tpu.memory_space<hbm>>
        %dma_start3A_23 = arith.constant 0 : i32
        %dma_start3A_24 = arith.constant 0 : i32
        %dma_start3A_25 = tpu.memref_slice %arg3[%add3A_11, %dma_start3A_23, %dma_start3A_24] : memref<128x3x1024xi32, #tpu.memory_space<hbm>> -> memref<1x3x1024xi32, #tpu.memory_space<hbm>>
        %dma_start3A_26 = tpu.memref_squeeze %dma_start3A_25 : memref<1x3x1024xi32, #tpu.memory_space<hbm>> -> memref<3x1024xi32, #tpu.memory_space<hbm>>
        tpu.enqueue_dma source(%dma_start3A_26 : memref<3x1024xi32, #tpu.memory_space<hbm>>) target(%arg6 : memref<3x1024xi32, #tpu.memory_space<vmem>>) target_semaphore(%run_scoped3A : memref<!tpu.dma_semaphore, #tpu.memory_space<semaphore_mem>>)
        %dma_wait3A = arith.constant 0 : i32
        %dma_wait3A_27 = arith.constant 0 : i32
        %dma_wait3A_28 = tpu.memref_slice %arg3[%add3A_11, %dma_wait3A, %dma_wait3A_27] : memref<128x3x1024xi32, #tpu.memory_space<hbm>> -> memref<1x3x1024xi32, #tpu.memory_space<hbm>>
        %dma_wait3A_29 = tpu.memref_squeeze %dma_wait3A_28 : memref<1x3x1024xi32, #tpu.memory_space<hbm>> -> memref<3x1024xi32, #tpu.memory_space<hbm>>
        %dma_wait3A_30 = arith.constant 0 : i32
        %dma_wait3A_31 = arith.constant 0 : i32
        %dma_wait3A_32 = tpu.memref_slice %arg3[%add3A_11, %dma_wait3A_30, %dma_wait3A_31] : memref<128x3x1024xi32, #tpu.memory_space<hbm>> -> memref<1x3x1024xi32, #tpu.memory_space<hbm>>
        %dma_wait3A_33 = tpu.memref_squeeze %dma_wait3A_32 : memref<1x3x1024xi32, #tpu.memory_space<hbm>> -> memref<3x1024xi32, #tpu.memory_space<hbm>>
        tpu.wait_dma2 semaphore(%run_scoped3A : memref<!tpu.dma_semaphore, #tpu.memory_space<semaphore_mem>>) src(%dma_wait3A_33 : memref<3x1024xi32, #tpu.memory_space<hbm>>) dst(%arg6 : memref<3x1024xi32, #tpu.memory_space<vmem>>)
        tpu.yield
      }) : () -> ()
      %scan3A_12 = arith.constant 0 : i32
      %scan3A_13 = arith.constant 0 : i32
      %scan3A_14 = arith.constant 8 : i32
      %scan3A_15 = arith.addi %scan3A_13, %scan3A_14 : i32
      %scan3A_16 = arith.constant 1 : i32
      %scan3A_17 = scf.for %scan3A_20 = %scan3A_13 to %scan3A_15 step %scan3A_16 iter_args(%scan3A_21 = %scan3A_12) -> (i32)  : i32 {
        %scan3A_22 = arith.constant 0 : i32
        %scan3A_23 = arith.constant 0 : i32
        %scan3A_24 = arith.constant 16 : i32
        %scan3A_25 = arith.addi %scan3A_23, %scan3A_24 : i32
        %scan3A_26 = arith.constant 1 : i32
        %scan3A_27 = scf.for %scan3A_32 = %scan3A_23 to %scan3A_25 step %scan3A_26 iter_args(%scan3A_33 = %scan3A_22) -> (i32)  : i32 {
          %mul3A_34 = arith.constant 16 : i32
          %mul3A_35 = arith.muli %scan3A_20, %mul3A_34 : i32
          %add3A_36 = arith.addi %mul3A_35, %scan3A_32 : i32
          %scan3A_37 = arith.constant 0 : i32
          %scan3A_38 = arith.constant 0 : i32
          %scan3A_39 = arith.constant 64 : i32
          %scan3A_40 = arith.addi %scan3A_38, %scan3A_39 : i32
          %scan3A_41 = arith.constant 1 : i32
          %scan3A_42 = scf.for %scan3A_45 = %scan3A_38 to %scan3A_40 step %scan3A_41 iter_args(%scan3A_46 = %scan3A_37) -> (i32)  : i32 {
            %broadcast_in_dim3A = arith.constant 0.000000e+00 : f32
            %broadcast_in_dim3A_47 = vector.broadcast %broadcast_in_dim3A : f32 to vector<16xf32>
            %mul3A_48 = arith.constant 448 : i32
            %mul3A_49 = arith.muli %add3A_36, %mul3A_48 : i32
            %mul3A_50 = arith.constant 16 : i32
            %mul3A_51 = arith.muli %scan3A_45, %mul3A_50 : i32
            %get3A = arith.constant 0 : i32
            %get3A_52 = arith.index_cast %get3A : i32 to index
            %get3A_53 = arith.index_cast %mul3A_51 : i32 to index
            %get3A_54 = tpu.vector_load %arg6[%get3A_52, %get3A_53] {strides = array<i32>} : memref<3x1024xi32, #tpu.memory_space<vmem>>, vector<16xi32>,
            %add3A_55 = vector.broadcast %mul3A_49 : i32 to vector<16xi32>
            %add3A_56 = arith.addi %add3A_55, %get3A_54 : vector<16xi32>
            %gather3A = tpu.vector_load_idx %arg5[%add3A_56] : memref<57344xf32, #tpu.memory_space<vmem>>[vector<16xi32>], vector<16xf32>,
            %add3A_57 = arith.addf %broadcast_in_dim3A_47, %gather3A : vector<16xf32>
            %mul3A_58 = arith.constant 16 : i32
            %mul3A_59 = arith.muli %scan3A_45, %mul3A_58 : i32
            %get3A_60 = arith.constant 1 : i32
            %get3A_61 = arith.index_cast %get3A_60 : i32 to index
            %get3A_62 = arith.index_cast %mul3A_59 : i32 to index
            %get3A_63 = tpu.vector_load %arg6[%get3A_61, %get3A_62] {strides = array<i32>} : memref<3x1024xi32, #tpu.memory_space<vmem>>, vector<16xi32>,
            %add3A_64 = vector.broadcast %mul3A_49 : i32 to vector<16xi32>
            %add3A_65 = arith.addi %add3A_64, %get3A_63 : vector<16xi32>
            %gather3A_66 = tpu.vector_load_idx %arg5[%add3A_65] : memref<57344xf32, #tpu.memory_space<vmem>>[vector<16xi32>], vector<16xf32>,
            %add3A_67 = arith.addf %add3A_57, %gather3A_66 : vector<16xf32>
            %mul3A_68 = arith.constant 16 : i32
            %mul3A_69 = arith.muli %scan3A_45, %mul3A_68 : i32
            %get3A_70 = arith.constant 2 : i32
            %get3A_71 = arith.index_cast %get3A_70 : i32 to index
            %get3A_72 = arith.index_cast %mul3A_69 : i32 to index
            %get3A_73 = tpu.vector_load %arg6[%get3A_71, %get3A_72] {strides = array<i32>} : memref<3x1024xi32, #tpu.memory_space<vmem>>, vector<16xi32>,
            %add3A_74 = vector.broadcast %mul3A_49 : i32 to vector<16xi32>
            %add3A_75 = arith.addi %add3A_74, %get3A_73 : vector<16xi32>
            %gather3A_76 = tpu.vector_load_idx %arg5[%add3A_75] : memref<57344xf32, #tpu.memory_space<vmem>>[vector<16xi32>], vector<16xf32>,
            %add3A_77 = arith.addf %add3A_67, %gather3A_76 : vector<16xf32>
            %mul3A_78 = arith.constant 16 : i32
            %mul3A_79 = arith.muli %scan3A_45, %mul3A_78 : i32
            %swap3A = arith.index_cast %scan3A_32 : i32 to index
            %swap3A_80 = arith.index_cast %mul3A_79 : i32 to index
            %swap3A_81 = tpu.vector_load %arg7[%swap3A, %swap3A_80] {strides = array<i32>} : memref<16x1024xf32, #tpu.memory_space<vmem>>, vector<16xf32>,
            tpu.vector_store %arg7[%swap3A, %swap3A_80], %add3A_77 {strides = array<i32>} : memref<16x1024xf32, #tpu.memory_space<vmem>>, vector<16xf32>,
            %scan3A_82 = arith.constant 0 : i32
            scf.yield %scan3A_82 : i32
          }
          %scan3A_43 = arith.constant 64 : i32
          %scan3A_44 = arith.constant 0 : i32
          scf.yield %scan3A_44 : i32
        }
        %scan3A_28 = arith.constant 16 : i32
        %mul3A_29 = arith.constant 16 : i32
        %mul3A_30 = arith.muli %scan3A_20, %mul3A_29 : i32
        "tpu.region"() ({
          %run_scoped3A = tpu.sem_alloc : memref<!tpu.dma_semaphore, #tpu.memory_space<semaphore_mem>>
          %dma_start3A = arith.constant 0 : i32
          %dma_start3A_32 = tpu.memref_slice %arg4[%add3A_11, %mul3A_30, %dma_start3A] : memref<128x128x1024xf32, #tpu.memory_space<hbm>> -> memref<1x16x1024xf32, #tpu.memory_space<hbm>>
          %dma_start3A_33 = tpu.memref_squeeze %dma_start3A_32 : memref<1x16x1024xf32, #tpu.memory_space<hbm>> -> memref<16x1024xf32, #tpu.memory_space<hbm>>
          %dma_start3A_34 = arith.constant 0 : i32
          %dma_start3A_35 = tpu.memref_slice %arg4[%add3A_11, %mul3A_30, %dma_start3A_34] : memref<128x128x1024xf32, #tpu.memory_space<hbm>> -> memref<1x16x1024xf32, #tpu.memory_space<hbm>>
          %dma_start3A_36 = tpu.memref_squeeze %dma_start3A_35 : memref<1x16x1024xf32, #tpu.memory_space<hbm>> -> memref<16x1024xf32, #tpu.memory_space<hbm>>
          tpu.enqueue_dma source(%arg7 : memref<16x1024xf32, #tpu.memory_space<vmem>>) target(%dma_start3A_36 : memref<16x1024xf32, #tpu.memory_space<hbm>>) target_semaphore(%run_scoped3A : memref<!tpu.dma_semaphore, #tpu.memory_space<semaphore_mem>>)
          %dma_wait3A = arith.constant 0 : i32
          %dma_wait3A_37 = tpu.memref_slice %arg4[%add3A_11, %mul3A_30, %dma_wait3A] : memref<128x128x1024xf32, #tpu.memory_space<hbm>> -> memref<1x16x1024xf32, #tpu.memory_space<hbm>>
          %dma_wait3A_38 = tpu.memref_squeeze %dma_wait3A_37 : memref<1x16x1024xf32, #tpu.memory_space<hbm>> -> memref<16x1024xf32, #tpu.memory_space<hbm>>
          %dma_wait3A_39 = arith.constant 0 : i32
          %dma_wait3A_40 = tpu.memref_slice %arg4[%add3A_11, %mul3A_30, %dma_wait3A_39] : memref<128x128x1024xf32, #tpu.memory_space<hbm>> -> memref<1x16x1024xf32, #tpu.memory_space<hbm>>
          %dma_wait3A_41 = tpu.memref_squeeze %dma_wait3A_40 : memref<1x16x1024xf32, #tpu.memory_space<hbm>> -> memref<16x1024xf32, #tpu.memory_space<hbm>>
          tpu.wait_dma2 semaphore(%run_scoped3A : memref<!tpu.dma_semaphore, #tpu.memory_space<semaphore_mem>>) src(%arg7 : memref<16x1024xf32, #tpu.memory_space<vmem>>) dst(%dma_wait3A_41 : memref<16x1024xf32, #tpu.memory_space<hbm>>)
          tpu.yield
        }) : () -> ()
        %scan3A_31 = arith.constant 0 : i32
        scf.yield %scan3A_31 : i32
      }
      %scan3A_18 = arith.constant 8 : i32
      %scan3A_19 = arith.constant 0 : i32
      scf.yield %scan3A_19 : i32
    }
    %scan3A_6 = arith.constant 4 : i32
    return
  }
}

module attributes {stable_mosaic.version = 14 : i64} {
  func.func @_tc_body(%arg0: i32, %arg1: memref<32x3x1024xi32, #tpu.memory_space<vmem>>, %arg2: memref<128x480xbf16, #tpu.memory_space<vmem>>, %arg3: memref<32x128x1024xf32, #tpu.memory_space<vmem>>) attributes {dimension_semantics = [#tpu.dimension_semantics<parallel>], iteration_bounds = array<i64: 28>, scalar_prefetch = 0 : i64, scratch_operands = 0 : i64, tpu.core_type = #tpu.core_type<tc>, window_params = [{transform_indices = @transform_0, window_bounds = array<i64: 32, 3, 1024>}, {pipeline_mode = #tpu.pipeline_mode<synchronous>, transform_indices = @transform_1, window_bounds = array<i64: 128, 480>}, {transform_indices = @transform_2, window_bounds = array<i64: 32, 128, 1024>}]} {
    %iota3A = tpu.iota {dimensions = array<i32: 0>} : vector<160x1024xi32>
    %convert_element_type3A = arith.sitofp %iota3A : vector<160x1024xi32> to vector<160x1024xbf16>
    %get3A = arith.constant 0 : index
    %get3A_0 = arith.constant 0 : index
    %get3A_1 = arith.constant 0 : index
    %get3A_2 = vector.load %arg1[%get3A, %get3A_0, %get3A_1] : memref<32x3x1024xi32, #tpu.memory_space<vmem>>, vector<1x1x1024xi32>
    %get3A_3 = vector.shape_cast %get3A_2 : vector<1x1x1024xi32> to vector<1024xi32>
    %convert_element_type3A_4 = arith.sitofp %get3A_3 : vector<1024xi32> to vector<1024xbf16>
    %broadcast_in_dim3A = vector.shape_cast %convert_element_type3A_4 : vector<1024xbf16> to vector<1x1024xbf16>
    %sub3A = vector.broadcast %broadcast_in_dim3A : vector<1x1024xbf16> to vector<160x1024xbf16>
    %sub3A_5 = arith.subf %convert_element_type3A, %sub3A : vector<160x1024xbf16>
    %abs3A = math.absf %sub3A_5 : vector<160x1024xbf16>
    %sub3A_6 = arith.constant 1.000000e+00 : bf16
    %sub3A_7 = vector.broadcast %sub3A_6 : bf16 to vector<160x1024xbf16>
    %sub3A_8 = arith.subf %sub3A_7, %abs3A : vector<160x1024xbf16>
    %max3A = arith.constant 0.000000e+00 : bf16
    %max3A_9 = vector.broadcast %max3A : bf16 to vector<160x1024xbf16>
    %max3A_10 = arith.maximumf %sub3A_8, %max3A_9 : vector<160x1024xbf16>
    %get3A_11 = arith.constant 0 : index
    %get3A_12 = arith.constant 1 : index
    %get3A_13 = arith.constant 0 : index
    %get3A_14 = vector.load %arg1[%get3A_11, %get3A_12, %get3A_13] : memref<32x3x1024xi32, #tpu.memory_space<vmem>>, vector<1x1x1024xi32>
    %get3A_15 = vector.shape_cast %get3A_14 : vector<1x1x1024xi32> to vector<1024xi32>
    %convert_element_type3A_16 = arith.sitofp %get3A_15 : vector<1024xi32> to vector<1024xbf16>
    %broadcast_in_dim3A_17 = vector.shape_cast %convert_element_type3A_16 : vector<1024xbf16> to vector<1x1024xbf16>
    %sub3A_18 = vector.broadcast %broadcast_in_dim3A_17 : vector<1x1024xbf16> to vector<160x1024xbf16>
    %sub3A_19 = arith.subf %convert_element_type3A, %sub3A_18 : vector<160x1024xbf16>
    %abs3A_20 = math.absf %sub3A_19 : vector<160x1024xbf16>
    %sub3A_21 = arith.constant 1.000000e+00 : bf16
    %sub3A_22 = vector.broadcast %sub3A_21 : bf16 to vector<160x1024xbf16>
    %sub3A_23 = arith.subf %sub3A_22, %abs3A_20 : vector<160x1024xbf16>
    %max3A_24 = arith.constant 0.000000e+00 : bf16
    %max3A_25 = vector.broadcast %max3A_24 : bf16 to vector<160x1024xbf16>
    %max3A_26 = arith.maximumf %sub3A_23, %max3A_25 : vector<160x1024xbf16>
    %get3A_27 = arith.constant 0 : index
    %get3A_28 = arith.constant 2 : index
    %get3A_29 = arith.constant 0 : index
    %get3A_30 = vector.load %arg1[%get3A_27, %get3A_28, %get3A_29] : memref<32x3x1024xi32, #tpu.memory_space<vmem>>, vector<1x1x1024xi32>
    %get3A_31 = vector.shape_cast %get3A_30 : vector<1x1x1024xi32> to vector<1024xi32>
    %convert_element_type3A_32 = arith.sitofp %get3A_31 : vector<1024xi32> to vector<1024xbf16>
    %broadcast_in_dim3A_33 = vector.shape_cast %convert_element_type3A_32 : vector<1024xbf16> to vector<1x1024xbf16>
    %sub3A_34 = vector.broadcast %broadcast_in_dim3A_33 : vector<1x1024xbf16> to vector<160x1024xbf16>
    %sub3A_35 = arith.subf %convert_element_type3A, %sub3A_34 : vector<160x1024xbf16>
    %abs3A_36 = math.absf %sub3A_35 : vector<160x1024xbf16>
    %sub3A_37 = arith.constant 1.000000e+00 : bf16
    %sub3A_38 = vector.broadcast %sub3A_37 : bf16 to vector<160x1024xbf16>
    %sub3A_39 = arith.subf %sub3A_38, %abs3A_36 : vector<160x1024xbf16>
    %max3A_40 = arith.constant 0.000000e+00 : bf16
    %max3A_41 = vector.broadcast %max3A_40 : bf16 to vector<160x1024xbf16>
    %max3A_42 = arith.maximumf %sub3A_39, %max3A_41 : vector<160x1024xbf16>
    %concatenate3A = tpu.concatenate %max3A_10, %max3A_26, %max3A_42 in 0 : vector<160x1024xbf16>, vector<160x1024xbf16>, vector<160x1024xbf16> -> vector<480x1024xbf16>
    %get3A_43 = arith.constant 0 : index
    %get3A_44 = arith.constant 0 : index
    %get3A_45 = vector.load %arg2[%get3A_43, %get3A_44] : memref<128x480xbf16, #tpu.memory_space<vmem>>, vector<128x480xbf16>
    %dot_general3A = arith.constant dense<0.000000e+00> : vector<128x1024xf32>
    %dot_general3A_46 = tpu.matmul %get3A_45, %concatenate3A, %dot_general3A {dimension_numbers = #tpu.dot_dimension_numbers<[1], [0], [0], [1], [0, 0, 1, 1], [], []>, transpose_lhs_hint = false} : vector<128x480xbf16>, vector<480x1024xbf16>, vector<128x1024xf32> -> vector<128x1024xf32>
    %swap3A = arith.constant 0 : index
    %swap3A_47 = arith.constant 0 : index
    %swap3A_48 = arith.constant 0 : index
    %swap3A_49 = vector.load %arg3[%swap3A, %swap3A_47, %swap3A_48] : memref<32x128x1024xf32, #tpu.memory_space<vmem>>, vector<1x128x1024xf32>
    %swap3A_50 = vector.shape_cast %swap3A_49 : vector<1x128x1024xf32> to vector<128x1024xf32>
    %swap3A_51 = vector.shape_cast %dot_general3A_46 : vector<128x1024xf32> to vector<1x128x1024xf32>
    tpu.vector_store %arg3[%swap3A, %swap3A_47, %swap3A_48], %swap3A_51 {strides = array<i32>} : memref<32x128x1024xf32, #tpu.memory_space<vmem>>, vector<1x128x1024xf32>,
    %get3A_52 = arith.constant 1 : index
    %get3A_53 = arith.constant 0 : index
    %get3A_54 = arith.constant 0 : index
    %get3A_55 = vector.load %arg1[%get3A_52, %get3A_53, %get3A_54] : memref<32x3x1024xi32, #tpu.memory_space<vmem>>, vector<1x1x1024xi32>
    %get3A_56 = vector.shape_cast %get3A_55 : vector<1x1x1024xi32> to vector<1024xi32>
    %convert_element_type3A_57 = arith.sitofp %get3A_56 : vector<1024xi32> to vector<1024xbf16>
    %broadcast_in_dim3A_58 = vector.shape_cast %convert_element_type3A_57 : vector<1024xbf16> to vector<1x1024xbf16>
    %sub3A_59 = vector.broadcast %broadcast_in_dim3A_58 : vector<1x1024xbf16> to vector<160x1024xbf16>
    %sub3A_60 = arith.subf %convert_element_type3A, %sub3A_59 : vector<160x1024xbf16>
    %abs3A_61 = math.absf %sub3A_60 : vector<160x1024xbf16>
    %sub3A_62 = arith.constant 1.000000e+00 : bf16
    %sub3A_63 = vector.broadcast %sub3A_62 : bf16 to vector<160x1024xbf16>
    %sub3A_64 = arith.subf %sub3A_63, %abs3A_61 : vector<160x1024xbf16>
    %max3A_65 = arith.constant 0.000000e+00 : bf16
    %max3A_66 = vector.broadcast %max3A_65 : bf16 to vector<160x1024xbf16>
    %max3A_67 = arith.maximumf %sub3A_64, %max3A_66 : vector<160x1024xbf16>
    %get3A_68 = arith.constant 1 : index
    %get3A_69 = arith.constant 1 : index
    %get3A_70 = arith.constant 0 : index
    %get3A_71 = vector.load %arg1[%get3A_68, %get3A_69, %get3A_70] : memref<32x3x1024xi32, #tpu.memory_space<vmem>>, vector<1x1x1024xi32>
    %get3A_72 = vector.shape_cast %get3A_71 : vector<1x1x1024xi32> to vector<1024xi32>
    %convert_element_type3A_73 = arith.sitofp %get3A_72 : vector<1024xi32> to vector<1024xbf16>
    %broadcast_in_dim3A_74 = vector.shape_cast %convert_element_type3A_73 : vector<1024xbf16> to vector<1x1024xbf16>
    %sub3A_75 = vector.broadcast %broadcast_in_dim3A_74 : vector<1x1024xbf16> to vector<160x1024xbf16>
    %sub3A_76 = arith.subf %convert_element_type3A, %sub3A_75 : vector<160x1024xbf16>
    %abs3A_77 = math.absf %sub3A_76 : vector<160x1024xbf16>
    %sub3A_78 = arith.constant 1.000000e+00 : bf16
    %sub3A_79 = vector.broadcast %sub3A_78 : bf16 to vector<160x1024xbf16>
    %sub3A_80 = arith.subf %sub3A_79, %abs3A_77 : vector<160x1024xbf16>
    %max3A_81 = arith.constant 0.000000e+00 : bf16
    %max3A_82 = vector.broadcast %max3A_81 : bf16 to vector<160x1024xbf16>
    %max3A_83 = arith.maximumf %sub3A_80, %max3A_82 : vector<160x1024xbf16>
    %get3A_84 = arith.constant 1 : index
    %get3A_85 = arith.constant 2 : index
    %get3A_86 = arith.constant 0 : index
    %get3A_87 = vector.load %arg1[%get3A_84, %get3A_85, %get3A_86] : memref<32x3x1024xi32, #tpu.memory_space<vmem>>, vector<1x1x1024xi32>
    %get3A_88 = vector.shape_cast %get3A_87 : vector<1x1x1024xi32> to vector<1024xi32>
    %convert_element_type3A_89 = arith.sitofp %get3A_88 : vector<1024xi32> to vector<1024xbf16>
    %broadcast_in_dim3A_90 = vector.shape_cast %convert_element_type3A_89 : vector<1024xbf16> to vector<1x1024xbf16>
    %sub3A_91 = vector.broadcast %broadcast_in_dim3A_90 : vector<1x1024xbf16> to vector<160x1024xbf16>
    %sub3A_92 = arith.subf %convert_element_type3A, %sub3A_91 : vector<160x1024xbf16>
    %abs3A_93 = math.absf %sub3A_92 : vector<160x1024xbf16>
    %sub3A_94 = arith.constant 1.000000e+00 : bf16
    %sub3A_95 = vector.broadcast %sub3A_94 : bf16 to vector<160x1024xbf16>
    %sub3A_96 = arith.subf %sub3A_95, %abs3A_93 : vector<160x1024xbf16>
    %max3A_97 = arith.constant 0.000000e+00 : bf16
    %max3A_98 = vector.broadcast %max3A_97 : bf16 to vector<160x1024xbf16>
    %max3A_99 = arith.maximumf %sub3A_96, %max3A_98 : vector<160x1024xbf16>
    %concatenate3A_100 = tpu.concatenate %max3A_67, %max3A_83, %max3A_99 in 0 : vector<160x1024xbf16>, vector<160x1024xbf16>, vector<160x1024xbf16> -> vector<480x1024xbf16>
    %get3A_101 = arith.constant 0 : index
    %get3A_102 = arith.constant 0 : index
    %get3A_103 = vector.load %arg2[%get3A_101, %get3A_102] : memref<128x480xbf16, #tpu.memory_space<vmem>>, vector<128x480xbf16>
    %dot_general3A_104 = arith.constant dense<0.000000e+00> : vector<128x1024xf32>
    %dot_general3A_105 = tpu.matmul %get3A_103, %concatenate3A_100, %dot_general3A_104 {dimension_numbers = #tpu.dot_dimension_numbers<[1], [0], [0], [1], [0, 0, 1, 1], [], []>, transpose_lhs_hint = false} : vector<128x480xbf16>, vector<480x1024xbf16>, vector<128x1024xf32> -> vector<128x1024xf32>
    %swap3A_106 = arith.constant 1 : index
    %swap3A_107 = arith.constant 0 : index
    %swap3A_108 = arith.constant 0 : index
    %swap3A_109 = vector.load %arg3[%swap3A_106, %swap3A_107, %swap3A_108] : memref<32x128x1024xf32, #tpu.memory_space<vmem>>, vector<1x128x1024xf32>
    %swap3A_110 = vector.shape_cast %swap3A_109 : vector<1x128x1024xf32> to vector<128x1024xf32>
    %swap3A_111 = vector.shape_cast %dot_general3A_105 : vector<128x1024xf32> to vector<1x128x1024xf32>
    tpu.vector_store %arg3[%swap3A_106, %swap3A_107, %swap3A_108], %swap3A_111 {strides = array<i32>} : memref<32x128x1024xf32, #tpu.memory_space<vmem>>, vector<1x128x1024xf32>,
    %get3A_112 = arith.constant 2 : index
    %get3A_113 = arith.constant 0 : index
    %get3A_114 = arith.constant 0 : index
    %get3A_115 = vector.load %arg1[%get3A_112, %get3A_113, %get3A_114] : memref<32x3x1024xi32, #tpu.memory_space<vmem>>, vector<1x1x1024xi32>
    %get3A_116 = vector.shape_cast %get3A_115 : vector<1x1x1024xi32> to vector<1024xi32>
    %convert_element_type3A_117 = arith.sitofp %get3A_116 : vector<1024xi32> to vector<1024xbf16>
    %broadcast_in_dim3A_118 = vector.shape_cast %convert_element_type3A_117 : vector<1024xbf16> to vector<1x1024xbf16>
    %sub3A_119 = vector.broadcast %broadcast_in_dim3A_118 : vector<1x1024xbf16> to vector<160x1024xbf16>
    %sub3A_120 = arith.subf %convert_element_type3A, %sub3A_119 : vector<160x1024xbf16>
    %abs3A_121 = math.absf %sub3A_120 : vector<160x1024xbf16>
    %sub3A_122 = arith.constant 1.000000e+00 : bf16
    %sub3A_123 = vector.broadcast %sub3A_122 : bf16 to vector<160x1024xbf16>
    %sub3A_124 = arith.subf %sub3A_123, %abs3A_121 : vector<160x1024xbf16>
    %max3A_125 = arith.constant 0.000000e+00 : bf16
    %max3A_126 = vector.broadcast %max3A_125 : bf16 to vector<160x1024xbf16>
    %max3A_127 = arith.maximumf %sub3A_124, %max3A_126 : vector<160x1024xbf16>
    %get3A_128 = arith.constant 2 : index
    %get3A_129 = arith.constant 1 : index
    %get3A_130 = arith.constant 0 : index
    %get3A_131 = vector.load %arg1[%get3A_128, %get3A_129, %get3A_130] : memref<32x3x1024xi32, #tpu.memory_space<vmem>>, vector<1x1x1024xi32>
    %get3A_132 = vector.shape_cast %get3A_131 : vector<1x1x1024xi32> to vector<1024xi32>
    %convert_element_type3A_133 = arith.sitofp %get3A_132 : vector<1024xi32> to vector<1024xbf16>
    %broadcast_in_dim3A_134 = vector.shape_cast %convert_element_type3A_133 : vector<1024xbf16> to vector<1x1024xbf16>
    %sub3A_135 = vector.broadcast %broadcast_in_dim3A_134 : vector<1x1024xbf16> to vector<160x1024xbf16>
    %sub3A_136 = arith.subf %convert_element_type3A, %sub3A_135 : vector<160x1024xbf16>
    %abs3A_137 = math.absf %sub3A_136 : vector<160x1024xbf16>
    %sub3A_138 = arith.constant 1.000000e+00 : bf16
    %sub3A_139 = vector.broadcast %sub3A_138 : bf16 to vector<160x1024xbf16>
    %sub3A_140 = arith.subf %sub3A_139, %abs3A_137 : vector<160x1024xbf16>
    %max3A_141 = arith.constant 0.000000e+00 : bf16
    %max3A_142 = vector.broadcast %max3A_141 : bf16 to vector<160x1024xbf16>
    %max3A_143 = arith.maximumf %sub3A_140, %max3A_142 : vector<160x1024xbf16>
    %get3A_144 = arith.constant 2 : index
    %get3A_145 = arith.constant 2 : index
    %get3A_146 = arith.constant 0 : index
    %get3A_147 = vector.load %arg1[%get3A_144, %get3A_145, %get3A_146] : memref<32x3x1024xi32, #tpu.memory_space<vmem>>, vector<1x1x1024xi32>
    %get3A_148 = vector.shape_cast %get3A_147 : vector<1x1x1024xi32> to vector<1024xi32>
    %convert_element_type3A_149 = arith.sitofp %get3A_148 : vector<1024xi32> to vector<1024xbf16>
    %broadcast_in_dim3A_150 = vector.shape_cast %convert_element_type3A_149 : vector<1024xbf16> to vector<1x1024xbf16>
    %sub3A_151 = vector.broadcast %broadcast_in_dim3A_150 : vector<1x1024xbf16> to vector<160x1024xbf16>
    %sub3A_152 = arith.subf %convert_element_type3A, %sub3A_151 : vector<160x1024xbf16>
    %abs3A_153 = math.absf %sub3A_152 : vector<160x1024xbf16>
    %sub3A_154 = arith.constant 1.000000e+00 : bf16
    %sub3A_155 = vector.broadcast %sub3A_154 : bf16 to vector<160x1024xbf16>
    %sub3A_156 = arith.subf %sub3A_155, %abs3A_153 : vector<160x1024xbf16>
    %max3A_157 = arith.constant 0.000000e+00 : bf16
    %max3A_158 = vector.broadcast %max3A_157 : bf16 to vector<160x1024xbf16>
    %max3A_159 = arith.maximumf %sub3A_156, %max3A_158 : vector<160x1024xbf16>
    %concatenate3A_160 = tpu.concatenate %max3A_127, %max3A_143, %max3A_159 in 0 : vector<160x1024xbf16>, vector<160x1024xbf16>, vector<160x1024xbf16> -> vector<480x1024xbf16>
    %get3A_161 = arith.constant 0 : index
    %get3A_162 = arith.constant 0 : index
    %get3A_163 = vector.load %arg2[%get3A_161, %get3A_162] : memref<128x480xbf16, #tpu.memory_space<vmem>>, vector<128x480xbf16>
    %dot_general3A_164 = arith.constant dense<0.000000e+00> : vector<128x1024xf32>
    %dot_general3A_165 = tpu.matmul %get3A_163, %concatenate3A_160, %dot_general3A_164 {dimension_numbers = #tpu.dot_dimension_numbers<[1], [0], [0], [1], [0, 0, 1, 1], [], []>, transpose_lhs_hint = false} : vector<128x480xbf16>, vector<480x1024xbf16>, vector<128x1024xf32> -> vector<128x1024xf32>
    %swap3A_166 = arith.constant 2 : index
    %swap3A_167 = arith.constant 0 : index
    %swap3A_168 = arith.constant 0 : index
    %swap3A_169 = vector.load %arg3[%swap3A_166, %swap3A_167, %swap3A_168] : memref<32x128x1024xf32, #tpu.memory_space<vmem>>, vector<1x128x1024xf32>
    %swap3A_170 = vector.shape_cast %swap3A_169 : vector<1x128x1024xf32> to vector<128x1024xf32>
    %swap3A_171 = vector.shape_cast %dot_general3A_165 : vector<128x1024xf32> to vector<1x128x1024xf32>
    tpu.vector_store %arg3[%swap3A_166, %swap3A_167, %swap3A_168], %swap3A_171 {strides = array<i32>} : memref<32x128x1024xf32, #tpu.memory_space<vmem>>, vector<1x128x1024xf32>,
    %get3A_172 = arith.constant 3 : index
    %get3A_173 = arith.constant 0 : index
    %get3A_174 = arith.constant 0 : index
    %get3A_175 = vector.load %arg1[%get3A_172, %get3A_173, %get3A_174] : memref<32x3x1024xi32, #tpu.memory_space<vmem>>, vector<1x1x1024xi32>
    %get3A_176 = vector.shape_cast %get3A_175 : vector<1x1x1024xi32> to vector<1024xi32>
    %convert_element_type3A_177 = arith.sitofp %get3A_176 : vector<1024xi32> to vector<1024xbf16>
    %broadcast_in_dim3A_178 = vector.shape_cast %convert_element_type3A_177 : vector<1024xbf16> to vector<1x1024xbf16>
    %sub3A_179 = vector.broadcast %broadcast_in_dim3A_178 : vector<1x1024xbf16> to vector<160x1024xbf16>
    %sub3A_180 = arith.subf %convert_element_type3A, %sub3A_179 : vector<160x1024xbf16>
    %abs3A_181 = math.absf %sub3A_180 : vector<160x1024xbf16>
    %sub3A_182 = arith.constant 1.000000e+00 : bf16
    %sub3A_183 = vector.broadcast %sub3A_182 : bf16 to vector<160x1024xbf16>
    %sub3A_184 = arith.subf %sub3A_183, %abs3A_181 : vector<160x1024xbf16>
    %max3A_185 = arith.constant 0.000000e+00 : bf16
    %max3A_186 = vector.broadcast %max3A_185 : bf16 to vector<160x1024xbf16>
    %max3A_187 = arith.maximumf %sub3A_184, %max3A_186 : vector<160x1024xbf16>
    %get3A_188 = arith.constant 3 : index
    %get3A_189 = arith.constant 1 : index
    %get3A_190 = arith.constant 0 : index
    %get3A_191 = vector.load %arg1[%get3A_188, %get3A_189, %get3A_190] : memref<32x3x1024xi32, #tpu.memory_space<vmem>>, vector<1x1x1024xi32>
    %get3A_192 = vector.shape_cast %get3A_191 : vector<1x1x1024xi32> to vector<1024xi32>
    %convert_element_type3A_193 = arith.sitofp %get3A_192 : vector<1024xi32> to vector<1024xbf16>
    %broadcast_in_dim3A_194 = vector.shape_cast %convert_element_type3A_193 : vector<1024xbf16> to vector<1x1024xbf16>
    %sub3A_195 = vector.broadcast %broadcast_in_dim3A_194 : vector<1x1024xbf16> to vector<160x1024xbf16>
    %sub3A_196 = arith.subf %convert_element_type3A, %sub3A_195 : vector<160x1024xbf16>
    %abs3A_197 = math.absf %sub3A_196 : vector<160x1024xbf16>
    %sub3A_198 = arith.constant 1.000000e+00 : bf16
    %sub3A_199 = vector.broadcast %sub3A_198 : bf16 to vector<160x1024xbf16>
    %sub3A_200 = arith.subf %sub3A_199, %abs3A_197 : vector<160x1024xbf16>
    %max3A_201 = arith.constant 0.000000e+00 : bf16
    %max3A_202 = vector.broadcast %max3A_201 : bf16 to vector<160x1024xbf16>
    %max3A_203 = arith.maximumf %sub3A_200, %max3A_202 : vector<160x1024xbf16>
    %get3A_204 = arith.constant 3 : index
    %get3A_205 = arith.constant 2 : index
    %get3A_206 = arith.constant 0 : index
    %get3A_207 = vector.load %arg1[%get3A_204, %get3A_205, %get3A_206] : memref<32x3x1024xi32, #tpu.memory_space<vmem>>, vector<1x1x1024xi32>
    %get3A_208 = vector.shape_cast %get3A_207 : vector<1x1x1024xi32> to vector<1024xi32>
    %convert_element_type3A_209 = arith.sitofp %get3A_208 : vector<1024xi32> to vector<1024xbf16>
    %broadcast_in_dim3A_210 = vector.shape_cast %convert_element_type3A_209 : vector<1024xbf16> to vector<1x1024xbf16>
    %sub3A_211 = vector.broadcast %broadcast_in_dim3A_210 : vector<1x1024xbf16> to vector<160x1024xbf16>
    %sub3A_212 = arith.subf %convert_element_type3A, %sub3A_211 : vector<160x1024xbf16>
    %abs3A_213 = math.absf %sub3A_212 : vector<160x1024xbf16>
    %sub3A_214 = arith.constant 1.000000e+00 : bf16
    %sub3A_215 = vector.broadcast %sub3A_214 : bf16 to vector<160x1024xbf16>
    %sub3A_216 = arith.subf %sub3A_215, %abs3A_213 : vector<160x1024xbf16>
    %max3A_217 = arith.constant 0.000000e+00 : bf16
    %max3A_218 = vector.broadcast %max3A_217 : bf16 to vector<160x1024xbf16>
    %max3A_219 = arith.maximumf %sub3A_216, %max3A_218 : vector<160x1024xbf16>
    %concatenate3A_220 = tpu.concatenate %max3A_187, %max3A_203, %max3A_219 in 0 : vector<160x1024xbf16>, vector<160x1024xbf16>, vector<160x1024xbf16> -> vector<480x1024xbf16>
    %get3A_221 = arith.constant 0 : index
    %get3A_222 = arith.constant 0 : index
    %get3A_223 = vector.load %arg2[%get3A_221, %get3A_222] : memref<128x480xbf16, #tpu.memory_space<vmem>>, vector<128x480xbf16>
    %dot_general3A_224 = arith.constant dense<0.000000e+00> : vector<128x1024xf32>
    %dot_general3A_225 = tpu.matmul %get3A_223, %concatenate3A_220, %dot_general3A_224 {dimension_numbers = #tpu.dot_dimension_numbers<[1], [0], [0], [1], [0, 0, 1, 1], [], []>, transpose_lhs_hint = false} : vector<128x480xbf16>, vector<480x1024xbf16>, vector<128x1024xf32> -> vector<128x1024xf32>
    %swap3A_226 = arith.constant 3 : index
    %swap3A_227 = arith.constant 0 : index
    %swap3A_228 = arith.constant 0 : index
    %swap3A_229 = vector.load %arg3[%swap3A_226, %swap3A_227, %swap3A_228] : memref<32x128x1024xf32, #tpu.memory_space<vmem>>, vector<1x128x1024xf32>
    %swap3A_230 = vector.shape_cast %swap3A_229 : vector<1x128x1024xf32> to vector<128x1024xf32>
    %swap3A_231 = vector.shape_cast %dot_general3A_225 : vector<128x1024xf32> to vector<1x128x1024xf32>
    tpu.vector_store %arg3[%swap3A_226, %swap3A_227, %swap3A_228], %swap3A_231 {strides = array<i32>} : memref<32x128x1024xf32, #tpu.memory_space<vmem>>, vector<1x128x1024xf32>,
    %get3A_232 = arith.constant 4 : index
    %get3A_233 = arith.constant 0 : index
    %get3A_234 = arith.constant 0 : index
    %get3A_235 = vector.load %arg1[%get3A_232, %get3A_233, %get3A_234] : memref<32x3x1024xi32, #tpu.memory_space<vmem>>, vector<1x1x1024xi32>
    %get3A_236 = vector.shape_cast %get3A_235 : vector<1x1x1024xi32> to vector<1024xi32>
    %convert_element_type3A_237 = arith.sitofp %get3A_236 : vector<1024xi32> to vector<1024xbf16>
    %broadcast_in_dim3A_238 = vector.shape_cast %convert_element_type3A_237 : vector<1024xbf16> to vector<1x1024xbf16>
    %sub3A_239 = vector.broadcast %broadcast_in_dim3A_238 : vector<1x1024xbf16> to vector<160x1024xbf16>
    %sub3A_240 = arith.subf %convert_element_type3A, %sub3A_239 : vector<160x1024xbf16>
    %abs3A_241 = math.absf %sub3A_240 : vector<160x1024xbf16>
    %sub3A_242 = arith.constant 1.000000e+00 : bf16
    %sub3A_243 = vector.broadcast %sub3A_242 : bf16 to vector<160x1024xbf16>
    %sub3A_244 = arith.subf %sub3A_243, %abs3A_241 : vector<160x1024xbf16>
    %max3A_245 = arith.constant 0.000000e+00 : bf16
    %max3A_246 = vector.broadcast %max3A_245 : bf16 to vector<160x1024xbf16>
    %max3A_247 = arith.maximumf %sub3A_244, %max3A_246 : vector<160x1024xbf16>
    %get3A_248 = arith.constant 4 : index
    %get3A_249 = arith.constant 1 : index
    %get3A_250 = arith.constant 0 : index
    %get3A_251 = vector.load %arg1[%get3A_248, %get3A_249, %get3A_250] : memref<32x3x1024xi32, #tpu.memory_space<vmem>>, vector<1x1x1024xi32>
    %get3A_252 = vector.shape_cast %get3A_251 : vector<1x1x1024xi32> to vector<1024xi32>
    %convert_element_type3A_253 = arith.sitofp %get3A_252 : vector<1024xi32> to vector<1024xbf16>
    %broadcast_in_dim3A_254 = vector.shape_cast %convert_element_type3A_253 : vector<1024xbf16> to vector<1x1024xbf16>
    %sub3A_255 = vector.broadcast %broadcast_in_dim3A_254 : vector<1x1024xbf16> to vector<160x1024xbf16>
    %sub3A_256 = arith.subf %convert_element_type3A, %sub3A_255 : vector<160x1024xbf16>
    %abs3A_257 = math.absf %sub3A_256 : vector<160x1024xbf16>
    %sub3A_258 = arith.constant 1.000000e+00 : bf16
    %sub3A_259 = vector.broadcast %sub3A_258 : bf16 to vector<160x1024xbf16>
    %sub3A_260 = arith.subf %sub3A_259, %abs3A_257 : vector<160x1024xbf16>
    %max3A_261 = arith.constant 0.000000e+00 : bf16
    %max3A_262 = vector.broadcast %max3A_261 : bf16 to vector<160x1024xbf16>
    %max3A_263 = arith.maximumf %sub3A_260, %max3A_262 : vector<160x1024xbf16>
    %get3A_264 = arith.constant 4 : index
    %get3A_265 = arith.constant 2 : index
    %get3A_266 = arith.constant 0 : index
    %get3A_267 = vector.load %arg1[%get3A_264, %get3A_265, %get3A_266] : memref<32x3x1024xi32, #tpu.memory_space<vmem>>, vector<1x1x1024xi32>
    %get3A_268 = vector.shape_cast %get3A_267 : vector<1x1x1024xi32> to vector<1024xi32>
    %convert_element_type3A_269 = arith.sitofp %get3A_268 : vector<1024xi32> to vector<1024xbf16>
    %broadcast_in_dim3A_270 = vector.shape_cast %convert_element_type3A_269 : vector<1024xbf16> to vector<1x1024xbf16>
    %sub3A_271 = vector.broadcast %broadcast_in_dim3A_270 : vector<1x1024xbf16> to vector<160x1024xbf16>
    %sub3A_272 = arith.subf %convert_element_type3A, %sub3A_271 : vector<160x1024xbf16>
    %abs3A_273 = math.absf %sub3A_272 : vector<160x1024xbf16>
    %sub3A_274 = arith.constant 1.000000e+00 : bf16
    %sub3A_275 = vector.broadcast %sub3A_274 : bf16 to vector<160x1024xbf16>
    %sub3A_276 = arith.subf %sub3A_275, %abs3A_273 : vector<160x1024xbf16>
    %max3A_277 = arith.constant 0.000000e+00 : bf16
    %max3A_278 = vector.broadcast %max3A_277 : bf16 to vector<160x1024xbf16>
    %max3A_279 = arith.maximumf %sub3A_276, %max3A_278 : vector<160x1024xbf16>
    %concatenate3A_280 = tpu.concatenate %max3A_247, %max3A_263, %max3A_279 in 0 : vector<160x1024xbf16>, vector<160x1024xbf16>, vector<160x1024xbf16> -> vector<480x1024xbf16>
    %get3A_281 = arith.constant 0 : index
    %get3A_282 = arith.constant 0 : index
    %get3A_283 = vector.load %arg2[%get3A_281, %get3A_282] : memref<128x480xbf16, #tpu.memory_space<vmem>>, vector<128x480xbf16>
    %dot_general3A_284 = arith.constant dense<0.000000e+00> : vector<128x1024xf32>
    %dot_general3A_285 = tpu.matmul %get3A_283, %concatenate3A_280, %dot_general3A_284 {dimension_numbers = #tpu.dot_dimension_numbers<[1], [0], [0], [1], [0, 0, 1, 1], [], []>, transpose_lhs_hint = false} : vector<128x480xbf16>, vector<480x1024xbf16>, vector<128x1024xf32> -> vector<128x1024xf32>
    %swap3A_286 = arith.constant 4 : index
    %swap3A_287 = arith.constant 0 : index
    %swap3A_288 = arith.constant 0 : index
    %swap3A_289 = vector.load %arg3[%swap3A_286, %swap3A_287, %swap3A_288] : memref<32x128x1024xf32, #tpu.memory_space<vmem>>, vector<1x128x1024xf32>
    %swap3A_290 = vector.shape_cast %swap3A_289 : vector<1x128x1024xf32> to vector<128x1024xf32>
    %swap3A_291 = vector.shape_cast %dot_general3A_285 : vector<128x1024xf32> to vector<1x128x1024xf32>
    tpu.vector_store %arg3[%swap3A_286, %swap3A_287, %swap3A_288], %swap3A_291 {strides = array<i32>} : memref<32x128x1024xf32, #tpu.memory_space<vmem>>, vector<1x128x1024xf32>,
    %get3A_292 = arith.constant 5 : index
    %get3A_293 = arith.constant 0 : index
    %get3A_294 = arith.constant 0 : index
    %get3A_295 = vector.load %arg1[%get3A_292, %get3A_293, %get3A_294] : memref<32x3x1024xi32, #tpu.memory_space<vmem>>, vector<1x1x1024xi32>
    %get3A_296 = vector.shape_cast %get3A_295 : vector<1x1x1024xi32> to vector<1024xi32>
    %convert_element_type3A_297 = arith.sitofp %get3A_296 : vector<1024xi32> to vector<1024xbf16>
    %broadcast_in_dim3A_298 = vector.shape_cast %convert_element_type3A_297 : vector<1024xbf16> to vector<1x1024xbf16>
    %sub3A_299 = vector.broadcast %broadcast_in_dim3A_298 : vector<1x1024xbf16> to vector<160x1024xbf16>
    %sub3A_300 = arith.subf %convert_element_type3A, %sub3A_299 : vector<160x1024xbf16>
    %abs3A_301 = math.absf %sub3A_300 : vector<160x1024xbf16>
    %sub3A_302 = arith.constant 1.000000e+00 : bf16
    %sub3A_303 = vector.broadcast %sub3A_302 : bf16 to vector<160x1024xbf16>
    %sub3A_304 = arith.subf %sub3A_303, %abs3A_301 : vector<160x1024xbf16>
    %max3A_305 = arith.constant 0.000000e+00 : bf16
    %max3A_306 = vector.broadcast %max3A_305 : bf16 to vector<160x1024xbf16>
    %max3A_307 = arith.maximumf %sub3A_304, %max3A_306 : vector<160x1024xbf16>
    %get3A_308 = arith.constant 5 : index
    %get3A_309 = arith.constant 1 : index
    %get3A_310 = arith.constant 0 : index
    %get3A_311 = vector.load %arg1[%get3A_308, %get3A_309, %get3A_310] : memref<32x3x1024xi32, #tpu.memory_space<vmem>>, vector<1x1x1024xi32>
    %get3A_312 = vector.shape_cast %get3A_311 : vector<1x1x1024xi32> to vector<1024xi32>
    %convert_element_type3A_313 = arith.sitofp %get3A_312 : vector<1024xi32> to vector<1024xbf16>
    %broadcast_in_dim3A_314 = vector.shape_cast %convert_element_type3A_313 : vector<1024xbf16> to vector<1x1024xbf16>
    %sub3A_315 = vector.broadcast %broadcast_in_dim3A_314 : vector<1x1024xbf16> to vector<160x1024xbf16>
    %sub3A_316 = arith.subf %convert_element_type3A, %sub3A_315 : vector<160x1024xbf16>
    %abs3A_317 = math.absf %sub3A_316 : vector<160x1024xbf16>
    %sub3A_318 = arith.constant 1.000000e+00 : bf16
    %sub3A_319 = vector.broadcast %sub3A_318 : bf16 to vector<160x1024xbf16>
    %sub3A_320 = arith.subf %sub3A_319, %abs3A_317 : vector<160x1024xbf16>
    %max3A_321 = arith.constant 0.000000e+00 : bf16
    %max3A_322 = vector.broadcast %max3A_321 : bf16 to vector<160x1024xbf16>
    %max3A_323 = arith.maximumf %sub3A_320, %max3A_322 : vector<160x1024xbf16>
    %get3A_324 = arith.constant 5 : index
    %get3A_325 = arith.constant 2 : index
    %get3A_326 = arith.constant 0 : index
    %get3A_327 = vector.load %arg1[%get3A_324, %get3A_325, %get3A_326] : memref<32x3x1024xi32, #tpu.memory_space<vmem>>, vector<1x1x1024xi32>
    %get3A_328 = vector.shape_cast %get3A_327 : vector<1x1x1024xi32> to vector<1024xi32>
    %convert_element_type3A_329 = arith.sitofp %get3A_328 : vector<1024xi32> to vector<1024xbf16>
    %broadcast_in_dim3A_330 = vector.shape_cast %convert_element_type3A_329 : vector<1024xbf16> to vector<1x1024xbf16>
    %sub3A_331 = vector.broadcast %broadcast_in_dim3A_330 : vector<1x1024xbf16> to vector<160x1024xbf16>
    %sub3A_332 = arith.subf %convert_element_type3A, %sub3A_331 : vector<160x1024xbf16>
    %abs3A_333 = math.absf %sub3A_332 : vector<160x1024xbf16>
    %sub3A_334 = arith.constant 1.000000e+00 : bf16
    %sub3A_335 = vector.broadcast %sub3A_334 : bf16 to vector<160x1024xbf16>
    %sub3A_336 = arith.subf %sub3A_335, %abs3A_333 : vector<160x1024xbf16>
    %max3A_337 = arith.constant 0.000000e+00 : bf16
    %max3A_338 = vector.broadcast %max3A_337 : bf16 to vector<160x1024xbf16>
    %max3A_339 = arith.maximumf %sub3A_336, %max3A_338 : vector<160x1024xbf16>
    %concatenate3A_340 = tpu.concatenate %max3A_307, %max3A_323, %max3A_339 in 0 : vector<160x1024xbf16>, vector<160x1024xbf16>, vector<160x1024xbf16> -> vector<480x1024xbf16>
    %get3A_341 = arith.constant 0 : index
    %get3A_342 = arith.constant 0 : index
    %get3A_343 = vector.load %arg2[%get3A_341, %get3A_342] : memref<128x480xbf16, #tpu.memory_space<vmem>>, vector<128x480xbf16>
    %dot_general3A_344 = arith.constant dense<0.000000e+00> : vector<128x1024xf32>
    %dot_general3A_345 = tpu.matmul %get3A_343, %concatenate3A_340, %dot_general3A_344 {dimension_numbers = #tpu.dot_dimension_numbers<[1], [0], [0], [1], [0, 0, 1, 1], [], []>, transpose_lhs_hint = false} : vector<128x480xbf16>, vector<480x1024xbf16>, vector<128x1024xf32> -> vector<128x1024xf32>
    %swap3A_346 = arith.constant 5 : index
    %swap3A_347 = arith.constant 0 : index
    %swap3A_348 = arith.constant 0 : index
    %swap3A_349 = vector.load %arg3[%swap3A_346, %swap3A_347, %swap3A_348] : memref<32x128x1024xf32, #tpu.memory_space<vmem>>, vector<1x128x1024xf32>
    %swap3A_350 = vector.shape_cast %swap3A_349 : vector<1x128x1024xf32> to vector<128x1024xf32>
    %swap3A_351 = vector.shape_cast %dot_general3A_345 : vector<128x1024xf32> to vector<1x128x1024xf32>
    tpu.vector_store %arg3[%swap3A_346, %swap3A_347, %swap3A_348], %swap3A_351 {strides = array<i32>} : memref<32x128x1024xf32, #tpu.memory_space<vmem>>, vector<1x128x1024xf32>,
    %get3A_352 = arith.constant 6 : index
    %get3A_353 = arith.constant 0 : index
    %get3A_354 = arith.constant 0 : index
    %get3A_355 = vector.load %arg1[%get3A_352, %get3A_353, %get3A_354] : memref<32x3x1024xi32, #tpu.memory_space<vmem>>, vector<1x1x1024xi32>
    %get3A_356 = vector.shape_cast %get3A_355 : vector<1x1x1024xi32> to vector<1024xi32>
    %convert_element_type3A_357 = arith.sitofp %get3A_356 : vector<1024xi32> to vector<1024xbf16>
    %broadcast_in_dim3A_358 = vector.shape_cast %convert_element_type3A_357 : vector<1024xbf16> to vector<1x1024xbf16>
    %sub3A_359 = vector.broadcast %broadcast_in_dim3A_358 : vector<1x1024xbf16> to vector<160x1024xbf16>
    %sub3A_360 = arith.subf %convert_element_type3A, %sub3A_359 : vector<160x1024xbf16>
    %abs3A_361 = math.absf %sub3A_360 : vector<160x1024xbf16>
    %sub3A_362 = arith.constant 1.000000e+00 : bf16
    %sub3A_363 = vector.broadcast %sub3A_362 : bf16 to vector<160x1024xbf16>
    %sub3A_364 = arith.subf %sub3A_363, %abs3A_361 : vector<160x1024xbf16>
    %max3A_365 = arith.constant 0.000000e+00 : bf16
    %max3A_366 = vector.broadcast %max3A_365 : bf16 to vector<160x1024xbf16>
    %max3A_367 = arith.maximumf %sub3A_364, %max3A_366 : vector<160x1024xbf16>
    %get3A_368 = arith.constant 6 : index
    %get3A_369 = arith.constant 1 : index
    %get3A_370 = arith.constant 0 : index
    %get3A_371 = vector.load %arg1[%get3A_368, %get3A_369, %get3A_370] : memref<32x3x1024xi32, #tpu.memory_space<vmem>>, vector<1x1x1024xi32>
    %get3A_372 = vector.shape_cast %get3A_371 : vector<1x1x1024xi32> to vector<1024xi32>
    %convert_element_type3A_373 = arith.sitofp %get3A_372 : vector<1024xi32> to vector<1024xbf16>
    %broadcast_in_dim3A_374 = vector.shape_cast %convert_element_type3A_373 : vector<1024xbf16> to vector<1x1024xbf16>
    %sub3A_375 = vector.broadcast %broadcast_in_dim3A_374 : vector<1x1024xbf16> to vector<160x1024xbf16>
    %sub3A_376 = arith.subf %convert_element_type3A, %sub3A_375 : vector<160x1024xbf16>
    %abs3A_377 = math.absf %sub3A_376 : vector<160x1024xbf16>
    %sub3A_378 = arith.constant 1.000000e+00 : bf16
    %sub3A_379 = vector.broadcast %sub3A_378 : bf16 to vector<160x1024xbf16>
    %sub3A_380 = arith.subf %sub3A_379, %abs3A_377 : vector<160x1024xbf16>
    %max3A_381 = arith.constant 0.000000e+00 : bf16
    %max3A_382 = vector.broadcast %max3A_381 : bf16 to vector<160x1024xbf16>
    %max3A_383 = arith.maximumf %sub3A_380, %max3A_382 : vector<160x1024xbf16>
    %get3A_384 = arith.constant 6 : index
    %get3A_385 = arith.constant 2 : index
    %get3A_386 = arith.constant 0 : index
    %get3A_387 = vector.load %arg1[%get3A_384, %get3A_385, %get3A_386] : memref<32x3x1024xi32, #tpu.memory_space<vmem>>, vector<1x1x1024xi32>
    %get3A_388 = vector.shape_cast %get3A_387 : vector<1x1x1024xi32> to vector<1024xi32>
    %convert_element_type3A_389 = arith.sitofp %get3A_388 : vector<1024xi32> to vector<1024xbf16>
    %broadcast_in_dim3A_390 = vector.shape_cast %convert_element_type3A_389 : vector<1024xbf16> to vector<1x1024xbf16>
    %sub3A_391 = vector.broadcast %broadcast_in_dim3A_390 : vector<1x1024xbf16> to vector<160x1024xbf16>
    %sub3A_392 = arith.subf %convert_element_type3A, %sub3A_391 : vector<160x1024xbf16>
    %abs3A_393 = math.absf %sub3A_392 : vector<160x1024xbf16>
    %sub3A_394 = arith.constant 1.000000e+00 : bf16
    %sub3A_395 = vector.broadcast %sub3A_394 : bf16 to vector<160x1024xbf16>
    %sub3A_396 = arith.subf %sub3A_395, %abs3A_393 : vector<160x1024xbf16>
    %max3A_397 = arith.constant 0.000000e+00 : bf16
    %max3A_398 = vector.broadcast %max3A_397 : bf16 to vector<160x1024xbf16>
    %max3A_399 = arith.maximumf %sub3A_396, %max3A_398 : vector<160x1024xbf16>
    %concatenate3A_400 = tpu.concatenate %max3A_367, %max3A_383, %max3A_399 in 0 : vector<160x1024xbf16>, vector<160x1024xbf16>, vector<160x1024xbf16> -> vector<480x1024xbf16>
    %get3A_401 = arith.constant 0 : index
    %get3A_402 = arith.constant 0 : index
    %get3A_403 = vector.load %arg2[%get3A_401, %get3A_402] : memref<128x480xbf16, #tpu.memory_space<vmem>>, vector<128x480xbf16>
    %dot_general3A_404 = arith.constant dense<0.000000e+00> : vector<128x1024xf32>
    %dot_general3A_405 = tpu.matmul %get3A_403, %concatenate3A_400, %dot_general3A_404 {dimension_numbers = #tpu.dot_dimension_numbers<[1], [0], [0], [1], [0, 0, 1, 1], [], []>, transpose_lhs_hint = false} : vector<128x480xbf16>, vector<480x1024xbf16>, vector<128x1024xf32> -> vector<128x1024xf32>
    %swap3A_406 = arith.constant 6 : index
    %swap3A_407 = arith.constant 0 : index
    %swap3A_408 = arith.constant 0 : index
    %swap3A_409 = vector.load %arg3[%swap3A_406, %swap3A_407, %swap3A_408] : memref<32x128x1024xf32, #tpu.memory_space<vmem>>, vector<1x128x1024xf32>
    %swap3A_410 = vector.shape_cast %swap3A_409 : vector<1x128x1024xf32> to vector<128x1024xf32>
    %swap3A_411 = vector.shape_cast %dot_general3A_405 : vector<128x1024xf32> to vector<1x128x1024xf32>
    tpu.vector_store %arg3[%swap3A_406, %swap3A_407, %swap3A_408], %swap3A_411 {strides = array<i32>} : memref<32x128x1024xf32, #tpu.memory_space<vmem>>, vector<1x128x1024xf32>,
    %get3A_412 = arith.constant 7 : index
    %get3A_413 = arith.constant 0 : index
    %get3A_414 = arith.constant 0 : index
    %get3A_415 = vector.load %arg1[%get3A_412, %get3A_413, %get3A_414] : memref<32x3x1024xi32, #tpu.memory_space<vmem>>, vector<1x1x1024xi32>
    %get3A_416 = vector.shape_cast %get3A_415 : vector<1x1x1024xi32> to vector<1024xi32>
    %convert_element_type3A_417 = arith.sitofp %get3A_416 : vector<1024xi32> to vector<1024xbf16>
    %broadcast_in_dim3A_418 = vector.shape_cast %convert_element_type3A_417 : vector<1024xbf16> to vector<1x1024xbf16>
    %sub3A_419 = vector.broadcast %broadcast_in_dim3A_418 : vector<1x1024xbf16> to vector<160x1024xbf16>
    %sub3A_420 = arith.subf %convert_element_type3A, %sub3A_419 : vector<160x1024xbf16>
    %abs3A_421 = math.absf %sub3A_420 : vector<160x1024xbf16>
    %sub3A_422 = arith.constant 1.000000e+00 : bf16
    %sub3A_423 = vector.broadcast %sub3A_422 : bf16 to vector<160x1024xbf16>
    %sub3A_424 = arith.subf %sub3A_423, %abs3A_421 : vector<160x1024xbf16>
    %max3A_425 = arith.constant 0.000000e+00 : bf16
    %max3A_426 = vector.broadcast %max3A_425 : bf16 to vector<160x1024xbf16>
    %max3A_427 = arith.maximumf %sub3A_424, %max3A_426 : vector<160x1024xbf16>
    %get3A_428 = arith.constant 7 : index
    %get3A_429 = arith.constant 1 : index
    %get3A_430 = arith.constant 0 : index
    %get3A_431 = vector.load %arg1[%get3A_428, %get3A_429, %get3A_430] : memref<32x3x1024xi32, #tpu.memory_space<vmem>>, vector<1x1x1024xi32>
    %get3A_432 = vector.shape_cast %get3A_431 : vector<1x1x1024xi32> to vector<1024xi32>
    %convert_element_type3A_433 = arith.sitofp %get3A_432 : vector<1024xi32> to vector<1024xbf16>
    %broadcast_in_dim3A_434 = vector.shape_cast %convert_element_type3A_433 : vector<1024xbf16> to vector<1x1024xbf16>
    %sub3A_435 = vector.broadcast %broadcast_in_dim3A_434 : vector<1x1024xbf16> to vector<160x1024xbf16>
    %sub3A_436 = arith.subf %convert_element_type3A, %sub3A_435 : vector<160x1024xbf16>
    %abs3A_437 = math.absf %sub3A_436 : vector<160x1024xbf16>
    %sub3A_438 = arith.constant 1.000000e+00 : bf16
    %sub3A_439 = vector.broadcast %sub3A_438 : bf16 to vector<160x1024xbf16>
    %sub3A_440 = arith.subf %sub3A_439, %abs3A_437 : vector<160x1024xbf16>
    %max3A_441 = arith.constant 0.000000e+00 : bf16
    %max3A_442 = vector.broadcast %max3A_441 : bf16 to vector<160x1024xbf16>
    %max3A_443 = arith.maximumf %sub3A_440, %max3A_442 : vector<160x1024xbf16>
    %get3A_444 = arith.constant 7 : index
    %get3A_445 = arith.constant 2 : index
    %get3A_446 = arith.constant 0 : index
    %get3A_447 = vector.load %arg1[%get3A_444, %get3A_445, %get3A_446] : memref<32x3x1024xi32, #tpu.memory_space<vmem>>, vector<1x1x1024xi32>
    %get3A_448 = vector.shape_cast %get3A_447 : vector<1x1x1024xi32> to vector<1024xi32>
    %convert_element_type3A_449 = arith.sitofp %get3A_448 : vector<1024xi32> to vector<1024xbf16>
    %broadcast_in_dim3A_450 = vector.shape_cast %convert_element_type3A_449 : vector<1024xbf16> to vector<1x1024xbf16>
    %sub3A_451 = vector.broadcast %broadcast_in_dim3A_450 : vector<1x1024xbf16> to vector<160x1024xbf16>
    %sub3A_452 = arith.subf %convert_element_type3A, %sub3A_451 : vector<160x1024xbf16>
    %abs3A_453 = math.absf %sub3A_452 : vector<160x1024xbf16>
    %sub3A_454 = arith.constant 1.000000e+00 : bf16
    %sub3A_455 = vector.broadcast %sub3A_454 : bf16 to vector<160x1024xbf16>
    %sub3A_456 = arith.subf %sub3A_455, %abs3A_453 : vector<160x1024xbf16>
    %max3A_457 = arith.constant 0.000000e+00 : bf16
    %max3A_458 = vector.broadcast %max3A_457 : bf16 to vector<160x1024xbf16>
    %max3A_459 = arith.maximumf %sub3A_456, %max3A_458 : vector<160x1024xbf16>
    %concatenate3A_460 = tpu.concatenate %max3A_427, %max3A_443, %max3A_459 in 0 : vector<160x1024xbf16>, vector<160x1024xbf16>, vector<160x1024xbf16> -> vector<480x1024xbf16>
    %get3A_461 = arith.constant 0 : index
    %get3A_462 = arith.constant 0 : index
    %get3A_463 = vector.load %arg2[%get3A_461, %get3A_462] : memref<128x480xbf16, #tpu.memory_space<vmem>>, vector<128x480xbf16>
    %dot_general3A_464 = arith.constant dense<0.000000e+00> : vector<128x1024xf32>
    %dot_general3A_465 = tpu.matmul %get3A_463, %concatenate3A_460, %dot_general3A_464 {dimension_numbers = #tpu.dot_dimension_numbers<[1], [0], [0], [1], [0, 0, 1, 1], [], []>, transpose_lhs_hint = false} : vector<128x480xbf16>, vector<480x1024xbf16>, vector<128x1024xf32> -> vector<128x1024xf32>
    %swap3A_466 = arith.constant 7 : index
    %swap3A_467 = arith.constant 0 : index
    %swap3A_468 = arith.constant 0 : index
    %swap3A_469 = vector.load %arg3[%swap3A_466, %swap3A_467, %swap3A_468] : memref<32x128x1024xf32, #tpu.memory_space<vmem>>, vector<1x128x1024xf32>
    %swap3A_470 = vector.shape_cast %swap3A_469 : vector<1x128x1024xf32> to vector<128x1024xf32>
    %swap3A_471 = vector.shape_cast %dot_general3A_465 : vector<128x1024xf32> to vector<1x128x1024xf32>
    tpu.vector_store %arg3[%swap3A_466, %swap3A_467, %swap3A_468], %swap3A_471 {strides = array<i32>} : memref<32x128x1024xf32, #tpu.memory_space<vmem>>, vector<1x128x1024xf32>,
    %get3A_472 = arith.constant 8 : index
    %get3A_473 = arith.constant 0 : index
    %get3A_474 = arith.constant 0 : index
    %get3A_475 = vector.load %arg1[%get3A_472, %get3A_473, %get3A_474] : memref<32x3x1024xi32, #tpu.memory_space<vmem>>, vector<1x1x1024xi32>
    %get3A_476 = vector.shape_cast %get3A_475 : vector<1x1x1024xi32> to vector<1024xi32>
    %convert_element_type3A_477 = arith.sitofp %get3A_476 : vector<1024xi32> to vector<1024xbf16>
    %broadcast_in_dim3A_478 = vector.shape_cast %convert_element_type3A_477 : vector<1024xbf16> to vector<1x1024xbf16>
    %sub3A_479 = vector.broadcast %broadcast_in_dim3A_478 : vector<1x1024xbf16> to vector<160x1024xbf16>
    %sub3A_480 = arith.subf %convert_element_type3A, %sub3A_479 : vector<160x1024xbf16>
    %abs3A_481 = math.absf %sub3A_480 : vector<160x1024xbf16>
    %sub3A_482 = arith.constant 1.000000e+00 : bf16
    %sub3A_483 = vector.broadcast %sub3A_482 : bf16 to vector<160x1024xbf16>
    %sub3A_484 = arith.subf %sub3A_483, %abs3A_481 : vector<160x1024xbf16>
    %max3A_485 = arith.constant 0.000000e+00 : bf16
    %max3A_486 = vector.broadcast %max3A_485 : bf16 to vector<160x1024xbf16>
    %max3A_487 = arith.maximumf %sub3A_484, %max3A_486 : vector<160x1024xbf16>
    %get3A_488 = arith.constant 8 : index
    %get3A_489 = arith.constant 1 : index
    %get3A_490 = arith.constant 0 : index
    %get3A_491 = vector.load %arg1[%get3A_488, %get3A_489, %get3A_490] : memref<32x3x1024xi32, #tpu.memory_space<vmem>>, vector<1x1x1024xi32>
    %get3A_492 = vector.shape_cast %get3A_491 : vector<1x1x1024xi32> to vector<1024xi32>
    %convert_element_type3A_493 = arith.sitofp %get3A_492 : vector<1024xi32> to vector<1024xbf16>
    %broadcast_in_dim3A_494 = vector.shape_cast %convert_element_type3A_493 : vector<1024xbf16> to vector<1x1024xbf16>
    %sub3A_495 = vector.broadcast %broadcast_in_dim3A_494 : vector<1x1024xbf16> to vector<160x1024xbf16>
    %sub3A_496 = arith.subf %convert_element_type3A, %sub3A_495 : vector<160x1024xbf16>
    %abs3A_497 = math.absf %sub3A_496 : vector<160x1024xbf16>
    %sub3A_498 = arith.constant 1.000000e+00 : bf16
    %sub3A_499 = vector.broadcast %sub3A_498 : bf16 to vector<160x1024xbf16>
    %sub3A_500 = arith.subf %sub3A_499, %abs3A_497 : vector<160x1024xbf16>
    %max3A_501 = arith.constant 0.000000e+00 : bf16
    %max3A_502 = vector.broadcast %max3A_501 : bf16 to vector<160x1024xbf16>
    %max3A_503 = arith.maximumf %sub3A_500, %max3A_502 : vector<160x1024xbf16>
    %get3A_504 = arith.constant 8 : index
    %get3A_505 = arith.constant 2 : index
    %get3A_506 = arith.constant 0 : index
    %get3A_507 = vector.load %arg1[%get3A_504, %get3A_505, %get3A_506] : memref<32x3x1024xi32, #tpu.memory_space<vmem>>, vector<1x1x1024xi32>
    %get3A_508 = vector.shape_cast %get3A_507 : vector<1x1x1024xi32> to vector<1024xi32>
    %convert_element_type3A_509 = arith.sitofp %get3A_508 : vector<1024xi32> to vector<1024xbf16>
    %broadcast_in_dim3A_510 = vector.shape_cast %convert_element_type3A_509 : vector<1024xbf16> to vector<1x1024xbf16>
    %sub3A_511 = vector.broadcast %broadcast_in_dim3A_510 : vector<1x1024xbf16> to vector<160x1024xbf16>
    %sub3A_512 = arith.subf %convert_element_type3A, %sub3A_511 : vector<160x1024xbf16>
    %abs3A_513 = math.absf %sub3A_512 : vector<160x1024xbf16>
    %sub3A_514 = arith.constant 1.000000e+00 : bf16
    %sub3A_515 = vector.broadcast %sub3A_514 : bf16 to vector<160x1024xbf16>
    %sub3A_516 = arith.subf %sub3A_515, %abs3A_513 : vector<160x1024xbf16>
    %max3A_517 = arith.constant 0.000000e+00 : bf16
    %max3A_518 = vector.broadcast %max3A_517 : bf16 to vector<160x1024xbf16>
    %max3A_519 = arith.maximumf %sub3A_516, %max3A_518 : vector<160x1024xbf16>
    %concatenate3A_520 = tpu.concatenate %max3A_487, %max3A_503, %max3A_519 in 0 : vector<160x1024xbf16>, vector<160x1024xbf16>, vector<160x1024xbf16> -> vector<480x1024xbf16>
    %get3A_521 = arith.constant 0 : index
    %get3A_522 = arith.constant 0 : index
    %get3A_523 = vector.load %arg2[%get3A_521, %get3A_522] : memref<128x480xbf16, #tpu.memory_space<vmem>>, vector<128x480xbf16>
    %dot_general3A_524 = arith.constant dense<0.000000e+00> : vector<128x1024xf32>
    %dot_general3A_525 = tpu.matmul %get3A_523, %concatenate3A_520, %dot_general3A_524 {dimension_numbers = #tpu.dot_dimension_numbers<[1], [0], [0], [1], [0, 0, 1, 1], [], []>, transpose_lhs_hint = false} : vector<128x480xbf16>, vector<480x1024xbf16>, vector<128x1024xf32> -> vector<128x1024xf32>
    %swap3A_526 = arith.constant 8 : index
    %swap3A_527 = arith.constant 0 : index
    %swap3A_528 = arith.constant 0 : index
    %swap3A_529 = vector.load %arg3[%swap3A_526, %swap3A_527, %swap3A_528] : memref<32x128x1024xf32, #tpu.memory_space<vmem>>, vector<1x128x1024xf32>
    %swap3A_530 = vector.shape_cast %swap3A_529 : vector<1x128x1024xf32> to vector<128x1024xf32>
    %swap3A_531 = vector.shape_cast %dot_general3A_525 : vector<128x1024xf32> to vector<1x128x1024xf32>
    tpu.vector_store %arg3[%swap3A_526, %swap3A_527, %swap3A_528], %swap3A_531 {strides = array<i32>} : memref<32x128x1024xf32, #tpu.memory_space<vmem>>, vector<1x128x1024xf32>,
    %get3A_532 = arith.constant 9 : index
    %get3A_533 = arith.constant 0 : index
    %get3A_534 = arith.constant 0 : index
    %get3A_535 = vector.load %arg1[%get3A_532, %get3A_533, %get3A_534] : memref<32x3x1024xi32, #tpu.memory_space<vmem>>, vector<1x1x1024xi32>
    %get3A_536 = vector.shape_cast %get3A_535 : vector<1x1x1024xi32> to vector<1024xi32>
    %convert_element_type3A_537 = arith.sitofp %get3A_536 : vector<1024xi32> to vector<1024xbf16>
    %broadcast_in_dim3A_538 = vector.shape_cast %convert_element_type3A_537 : vector<1024xbf16> to vector<1x1024xbf16>
    %sub3A_539 = vector.broadcast %broadcast_in_dim3A_538 : vector<1x1024xbf16> to vector<160x1024xbf16>
    %sub3A_540 = arith.subf %convert_element_type3A, %sub3A_539 : vector<160x1024xbf16>
    %abs3A_541 = math.absf %sub3A_540 : vector<160x1024xbf16>
    %sub3A_542 = arith.constant 1.000000e+00 : bf16
    %sub3A_543 = vector.broadcast %sub3A_542 : bf16 to vector<160x1024xbf16>
    %sub3A_544 = arith.subf %sub3A_543, %abs3A_541 : vector<160x1024xbf16>
    %max3A_545 = arith.constant 0.000000e+00 : bf16
    %max3A_546 = vector.broadcast %max3A_545 : bf16 to vector<160x1024xbf16>
    %max3A_547 = arith.maximumf %sub3A_544, %max3A_546 : vector<160x1024xbf16>
    %get3A_548 = arith.constant 9 : index
    %get3A_549 = arith.constant 1 : index
    %get3A_550 = arith.constant 0 : index
    %get3A_551 = vector.load %arg1[%get3A_548, %get3A_549, %get3A_550] : memref<32x3x1024xi32, #tpu.memory_space<vmem>>, vector<1x1x1024xi32>
    %get3A_552 = vector.shape_cast %get3A_551 : vector<1x1x1024xi32> to vector<1024xi32>
    %convert_element_type3A_553 = arith.sitofp %get3A_552 : vector<1024xi32> to vector<1024xbf16>
    %broadcast_in_dim3A_554 = vector.shape_cast %convert_element_type3A_553 : vector<1024xbf16> to vector<1x1024xbf16>
    %sub3A_555 = vector.broadcast %broadcast_in_dim3A_554 : vector<1x1024xbf16> to vector<160x1024xbf16>
    %sub3A_556 = arith.subf %convert_element_type3A, %sub3A_555 : vector<160x1024xbf16>
    %abs3A_557 = math.absf %sub3A_556 : vector<160x1024xbf16>
    %sub3A_558 = arith.constant 1.000000e+00 : bf16
    %sub3A_559 = vector.broadcast %sub3A_558 : bf16 to vector<160x1024xbf16>
    %sub3A_560 = arith.subf %sub3A_559, %abs3A_557 : vector<160x1024xbf16>
    %max3A_561 = arith.constant 0.000000e+00 : bf16
    %max3A_562 = vector.broadcast %max3A_561 : bf16 to vector<160x1024xbf16>
    %max3A_563 = arith.maximumf %sub3A_560, %max3A_562 : vector<160x1024xbf16>
    %get3A_564 = arith.constant 9 : index
    %get3A_565 = arith.constant 2 : index
    %get3A_566 = arith.constant 0 : index
    %get3A_567 = vector.load %arg1[%get3A_564, %get3A_565, %get3A_566] : memref<32x3x1024xi32, #tpu.memory_space<vmem>>, vector<1x1x1024xi32>
    %get3A_568 = vector.shape_cast %get3A_567 : vector<1x1x1024xi32> to vector<1024xi32>
    %convert_element_type3A_569 = arith.sitofp %get3A_568 : vector<1024xi32> to vector<1024xbf16>
    %broadcast_in_dim3A_570 = vector.shape_cast %convert_element_type3A_569 : vector<1024xbf16> to vector<1x1024xbf16>
    %sub3A_571 = vector.broadcast %broadcast_in_dim3A_570 : vector<1x1024xbf16> to vector<160x1024xbf16>
    %sub3A_572 = arith.subf %convert_element_type3A, %sub3A_571 : vector<160x1024xbf16>
    %abs3A_573 = math.absf %sub3A_572 : vector<160x1024xbf16>
    %sub3A_574 = arith.constant 1.000000e+00 : bf16
    %sub3A_575 = vector.broadcast %sub3A_574 : bf16 to vector<160x1024xbf16>
    %sub3A_576 = arith.subf %sub3A_575, %abs3A_573 : vector<160x1024xbf16>
    %max3A_577 = arith.constant 0.000000e+00 : bf16
    %max3A_578 = vector.broadcast %max3A_577 : bf16 to vector<160x1024xbf16>
    %max3A_579 = arith.maximumf %sub3A_576, %max3A_578 : vector<160x1024xbf16>
    %concatenate3A_580 = tpu.concatenate %max3A_547, %max3A_563, %max3A_579 in 0 : vector<160x1024xbf16>, vector<160x1024xbf16>, vector<160x1024xbf16> -> vector<480x1024xbf16>
    %get3A_581 = arith.constant 0 : index
    %get3A_582 = arith.constant 0 : index
    %get3A_583 = vector.load %arg2[%get3A_581, %get3A_582] : memref<128x480xbf16, #tpu.memory_space<vmem>>, vector<128x480xbf16>
    %dot_general3A_584 = arith.constant dense<0.000000e+00> : vector<128x1024xf32>
    %dot_general3A_585 = tpu.matmul %get3A_583, %concatenate3A_580, %dot_general3A_584 {dimension_numbers = #tpu.dot_dimension_numbers<[1], [0], [0], [1], [0, 0, 1, 1], [], []>, transpose_lhs_hint = false} : vector<128x480xbf16>, vector<480x1024xbf16>, vector<128x1024xf32> -> vector<128x1024xf32>
    %swap3A_586 = arith.constant 9 : index
    %swap3A_587 = arith.constant 0 : index
    %swap3A_588 = arith.constant 0 : index
    %swap3A_589 = vector.load %arg3[%swap3A_586, %swap3A_587, %swap3A_588] : memref<32x128x1024xf32, #tpu.memory_space<vmem>>, vector<1x128x1024xf32>
    %swap3A_590 = vector.shape_cast %swap3A_589 : vector<1x128x1024xf32> to vector<128x1024xf32>
    %swap3A_591 = vector.shape_cast %dot_general3A_585 : vector<128x1024xf32> to vector<1x128x1024xf32>
    tpu.vector_store %arg3[%swap3A_586, %swap3A_587, %swap3A_588], %swap3A_591 {strides = array<i32>} : memref<32x128x1024xf32, #tpu.memory_space<vmem>>, vector<1x128x1024xf32>,
    %get3A_592 = arith.constant 10 : index
    %get3A_593 = arith.constant 0 : index
    %get3A_594 = arith.constant 0 : index
    %get3A_595 = vector.load %arg1[%get3A_592, %get3A_593, %get3A_594] : memref<32x3x1024xi32, #tpu.memory_space<vmem>>, vector<1x1x1024xi32>
    %get3A_596 = vector.shape_cast %get3A_595 : vector<1x1x1024xi32> to vector<1024xi32>
    %convert_element_type3A_597 = arith.sitofp %get3A_596 : vector<1024xi32> to vector<1024xbf16>
    %broadcast_in_dim3A_598 = vector.shape_cast %convert_element_type3A_597 : vector<1024xbf16> to vector<1x1024xbf16>
    %sub3A_599 = vector.broadcast %broadcast_in_dim3A_598 : vector<1x1024xbf16> to vector<160x1024xbf16>
    %sub3A_600 = arith.subf %convert_element_type3A, %sub3A_599 : vector<160x1024xbf16>
    %abs3A_601 = math.absf %sub3A_600 : vector<160x1024xbf16>
    %sub3A_602 = arith.constant 1.000000e+00 : bf16
    %sub3A_603 = vector.broadcast %sub3A_602 : bf16 to vector<160x1024xbf16>
    %sub3A_604 = arith.subf %sub3A_603, %abs3A_601 : vector<160x1024xbf16>
    %max3A_605 = arith.constant 0.000000e+00 : bf16
    %max3A_606 = vector.broadcast %max3A_605 : bf16 to vector<160x1024xbf16>
    %max3A_607 = arith.maximumf %sub3A_604, %max3A_606 : vector<160x1024xbf16>
    %get3A_608 = arith.constant 10 : index
    %get3A_609 = arith.constant 1 : index
    %get3A_610 = arith.constant 0 : index
    %get3A_611 = vector.load %arg1[%get3A_608, %get3A_609, %get3A_610] : memref<32x3x1024xi32, #tpu.memory_space<vmem>>, vector<1x1x1024xi32>
    %get3A_612 = vector.shape_cast %get3A_611 : vector<1x1x1024xi32> to vector<1024xi32>
    %convert_element_type3A_613 = arith.sitofp %get3A_612 : vector<1024xi32> to vector<1024xbf16>
    %broadcast_in_dim3A_614 = vector.shape_cast %convert_element_type3A_613 : vector<1024xbf16> to vector<1x1024xbf16>
    %sub3A_615 = vector.broadcast %broadcast_in_dim3A_614 : vector<1x1024xbf16> to vector<160x1024xbf16>
    %sub3A_616 = arith.subf %convert_element_type3A, %sub3A_615 : vector<160x1024xbf16>
    %abs3A_617 = math.absf %sub3A_616 : vector<160x1024xbf16>
    %sub3A_618 = arith.constant 1.000000e+00 : bf16
    %sub3A_619 = vector.broadcast %sub3A_618 : bf16 to vector<160x1024xbf16>
    %sub3A_620 = arith.subf %sub3A_619, %abs3A_617 : vector<160x1024xbf16>
    %max3A_621 = arith.constant 0.000000e+00 : bf16
    %max3A_622 = vector.broadcast %max3A_621 : bf16 to vector<160x1024xbf16>
    %max3A_623 = arith.maximumf %sub3A_620, %max3A_622 : vector<160x1024xbf16>
    %get3A_624 = arith.constant 10 : index
    %get3A_625 = arith.constant 2 : index
    %get3A_626 = arith.constant 0 : index
    %get3A_627 = vector.load %arg1[%get3A_624, %get3A_625, %get3A_626] : memref<32x3x1024xi32, #tpu.memory_space<vmem>>, vector<1x1x1024xi32>
    %get3A_628 = vector.shape_cast %get3A_627 : vector<1x1x1024xi32> to vector<1024xi32>
    %convert_element_type3A_629 = arith.sitofp %get3A_628 : vector<1024xi32> to vector<1024xbf16>
    %broadcast_in_dim3A_630 = vector.shape_cast %convert_element_type3A_629 : vector<1024xbf16> to vector<1x1024xbf16>
    %sub3A_631 = vector.broadcast %broadcast_in_dim3A_630 : vector<1x1024xbf16> to vector<160x1024xbf16>
    %sub3A_632 = arith.subf %convert_element_type3A, %sub3A_631 : vector<160x1024xbf16>
    %abs3A_633 = math.absf %sub3A_632 : vector<160x1024xbf16>
    %sub3A_634 = arith.constant 1.000000e+00 : bf16
    %sub3A_635 = vector.broadcast %sub3A_634 : bf16 to vector<160x1024xbf16>
    %sub3A_636 = arith.subf %sub3A_635, %abs3A_633 : vector<160x1024xbf16>
    %max3A_637 = arith.constant 0.000000e+00 : bf16
    %max3A_638 = vector.broadcast %max3A_637 : bf16 to vector<160x1024xbf16>
    %max3A_639 = arith.maximumf %sub3A_636, %max3A_638 : vector<160x1024xbf16>
    %concatenate3A_640 = tpu.concatenate %max3A_607, %max3A_623, %max3A_639 in 0 : vector<160x1024xbf16>, vector<160x1024xbf16>, vector<160x1024xbf16> -> vector<480x1024xbf16>
    %get3A_641 = arith.constant 0 : index
    %get3A_642 = arith.constant 0 : index
    %get3A_643 = vector.load %arg2[%get3A_641, %get3A_642] : memref<128x480xbf16, #tpu.memory_space<vmem>>, vector<128x480xbf16>
    %dot_general3A_644 = arith.constant dense<0.000000e+00> : vector<128x1024xf32>
    %dot_general3A_645 = tpu.matmul %get3A_643, %concatenate3A_640, %dot_general3A_644 {dimension_numbers = #tpu.dot_dimension_numbers<[1], [0], [0], [1], [0, 0, 1, 1], [], []>, transpose_lhs_hint = false} : vector<128x480xbf16>, vector<480x1024xbf16>, vector<128x1024xf32> -> vector<128x1024xf32>
    %swap3A_646 = arith.constant 10 : index
    %swap3A_647 = arith.constant 0 : index
    %swap3A_648 = arith.constant 0 : index
    %swap3A_649 = vector.load %arg3[%swap3A_646, %swap3A_647, %swap3A_648] : memref<32x128x1024xf32, #tpu.memory_space<vmem>>, vector<1x128x1024xf32>
    %swap3A_650 = vector.shape_cast %swap3A_649 : vector<1x128x1024xf32> to vector<128x1024xf32>
    %swap3A_651 = vector.shape_cast %dot_general3A_645 : vector<128x1024xf32> to vector<1x128x1024xf32>
    tpu.vector_store %arg3[%swap3A_646, %swap3A_647, %swap3A_648], %swap3A_651 {strides = array<i32>} : memref<32x128x1024xf32, #tpu.memory_space<vmem>>, vector<1x128x1024xf32>,
    %get3A_652 = arith.constant 11 : index
    %get3A_653 = arith.constant 0 : index
    %get3A_654 = arith.constant 0 : index
    %get3A_655 = vector.load %arg1[%get3A_652, %get3A_653, %get3A_654] : memref<32x3x1024xi32, #tpu.memory_space<vmem>>, vector<1x1x1024xi32>
    %get3A_656 = vector.shape_cast %get3A_655 : vector<1x1x1024xi32> to vector<1024xi32>
    %convert_element_type3A_657 = arith.sitofp %get3A_656 : vector<1024xi32> to vector<1024xbf16>
    %broadcast_in_dim3A_658 = vector.shape_cast %convert_element_type3A_657 : vector<1024xbf16> to vector<1x1024xbf16>
    %sub3A_659 = vector.broadcast %broadcast_in_dim3A_658 : vector<1x1024xbf16> to vector<160x1024xbf16>
    %sub3A_660 = arith.subf %convert_element_type3A, %sub3A_659 : vector<160x1024xbf16>
    %abs3A_661 = math.absf %sub3A_660 : vector<160x1024xbf16>
    %sub3A_662 = arith.constant 1.000000e+00 : bf16
    %sub3A_663 = vector.broadcast %sub3A_662 : bf16 to vector<160x1024xbf16>
    %sub3A_664 = arith.subf %sub3A_663, %abs3A_661 : vector<160x1024xbf16>
    %max3A_665 = arith.constant 0.000000e+00 : bf16
    %max3A_666 = vector.broadcast %max3A_665 : bf16 to vector<160x1024xbf16>
    %max3A_667 = arith.maximumf %sub3A_664, %max3A_666 : vector<160x1024xbf16>
    %get3A_668 = arith.constant 11 : index
    %get3A_669 = arith.constant 1 : index
    %get3A_670 = arith.constant 0 : index
    %get3A_671 = vector.load %arg1[%get3A_668, %get3A_669, %get3A_670] : memref<32x3x1024xi32, #tpu.memory_space<vmem>>, vector<1x1x1024xi32>
    %get3A_672 = vector.shape_cast %get3A_671 : vector<1x1x1024xi32> to vector<1024xi32>
    %convert_element_type3A_673 = arith.sitofp %get3A_672 : vector<1024xi32> to vector<1024xbf16>
    %broadcast_in_dim3A_674 = vector.shape_cast %convert_element_type3A_673 : vector<1024xbf16> to vector<1x1024xbf16>
    %sub3A_675 = vector.broadcast %broadcast_in_dim3A_674 : vector<1x1024xbf16> to vector<160x1024xbf16>
    %sub3A_676 = arith.subf %convert_element_type3A, %sub3A_675 : vector<160x1024xbf16>
    %abs3A_677 = math.absf %sub3A_676 : vector<160x1024xbf16>
    %sub3A_678 = arith.constant 1.000000e+00 : bf16
    %sub3A_679 = vector.broadcast %sub3A_678 : bf16 to vector<160x1024xbf16>
    %sub3A_680 = arith.subf %sub3A_679, %abs3A_677 : vector<160x1024xbf16>
    %max3A_681 = arith.constant 0.000000e+00 : bf16
    %max3A_682 = vector.broadcast %max3A_681 : bf16 to vector<160x1024xbf16>
    %max3A_683 = arith.maximumf %sub3A_680, %max3A_682 : vector<160x1024xbf16>
    %get3A_684 = arith.constant 11 : index
    %get3A_685 = arith.constant 2 : index
    %get3A_686 = arith.constant 0 : index
    %get3A_687 = vector.load %arg1[%get3A_684, %get3A_685, %get3A_686] : memref<32x3x1024xi32, #tpu.memory_space<vmem>>, vector<1x1x1024xi32>
    %get3A_688 = vector.shape_cast %get3A_687 : vector<1x1x1024xi32> to vector<1024xi32>
    %convert_element_type3A_689 = arith.sitofp %get3A_688 : vector<1024xi32> to vector<1024xbf16>
    %broadcast_in_dim3A_690 = vector.shape_cast %convert_element_type3A_689 : vector<1024xbf16> to vector<1x1024xbf16>
    %sub3A_691 = vector.broadcast %broadcast_in_dim3A_690 : vector<1x1024xbf16> to vector<160x1024xbf16>
    %sub3A_692 = arith.subf %convert_element_type3A, %sub3A_691 : vector<160x1024xbf16>
    %abs3A_693 = math.absf %sub3A_692 : vector<160x1024xbf16>
    %sub3A_694 = arith.constant 1.000000e+00 : bf16
    %sub3A_695 = vector.broadcast %sub3A_694 : bf16 to vector<160x1024xbf16>
    %sub3A_696 = arith.subf %sub3A_695, %abs3A_693 : vector<160x1024xbf16>
    %max3A_697 = arith.constant 0.000000e+00 : bf16
    %max3A_698 = vector.broadcast %max3A_697 : bf16 to vector<160x1024xbf16>
    %max3A_699 = arith.maximumf %sub3A_696, %max3A_698 : vector<160x1024xbf16>
    %concatenate3A_700 = tpu.concatenate %max3A_667, %max3A_683, %max3A_699 in 0 : vector<160x1024xbf16>, vector<160x1024xbf16>, vector<160x1024xbf16> -> vector<480x1024xbf16>
    %get3A_701 = arith.constant 0 : index
    %get3A_702 = arith.constant 0 : index
    %get3A_703 = vector.load %arg2[%get3A_701, %get3A_702] : memref<128x480xbf16, #tpu.memory_space<vmem>>, vector<128x480xbf16>
    %dot_general3A_704 = arith.constant dense<0.000000e+00> : vector<128x1024xf32>
    %dot_general3A_705 = tpu.matmul %get3A_703, %concatenate3A_700, %dot_general3A_704 {dimension_numbers = #tpu.dot_dimension_numbers<[1], [0], [0], [1], [0, 0, 1, 1], [], []>, transpose_lhs_hint = false} : vector<128x480xbf16>, vector<480x1024xbf16>, vector<128x1024xf32> -> vector<128x1024xf32>
    %swap3A_706 = arith.constant 11 : index
    %swap3A_707 = arith.constant 0 : index
    %swap3A_708 = arith.constant 0 : index
    %swap3A_709 = vector.load %arg3[%swap3A_706, %swap3A_707, %swap3A_708] : memref<32x128x1024xf32, #tpu.memory_space<vmem>>, vector<1x128x1024xf32>
    %swap3A_710 = vector.shape_cast %swap3A_709 : vector<1x128x1024xf32> to vector<128x1024xf32>
    %swap3A_711 = vector.shape_cast %dot_general3A_705 : vector<128x1024xf32> to vector<1x128x1024xf32>
    tpu.vector_store %arg3[%swap3A_706, %swap3A_707, %swap3A_708], %swap3A_711 {strides = array<i32>} : memref<32x128x1024xf32, #tpu.memory_space<vmem>>, vector<1x128x1024xf32>,
    %get3A_712 = arith.constant 12 : index
    %get3A_713 = arith.constant 0 : index
    %get3A_714 = arith.constant 0 : index
    %get3A_715 = vector.load %arg1[%get3A_712, %get3A_713, %get3A_714] : memref<32x3x1024xi32, #tpu.memory_space<vmem>>, vector<1x1x1024xi32>
    %get3A_716 = vector.shape_cast %get3A_715 : vector<1x1x1024xi32> to vector<1024xi32>
    %convert_element_type3A_717 = arith.sitofp %get3A_716 : vector<1024xi32> to vector<1024xbf16>
    %broadcast_in_dim3A_718 = vector.shape_cast %convert_element_type3A_717 : vector<1024xbf16> to vector<1x1024xbf16>
    %sub3A_719 = vector.broadcast %broadcast_in_dim3A_718 : vector<1x1024xbf16> to vector<160x1024xbf16>
    %sub3A_720 = arith.subf %convert_element_type3A, %sub3A_719 : vector<160x1024xbf16>
    %abs3A_721 = math.absf %sub3A_720 : vector<160x1024xbf16>
    %sub3A_722 = arith.constant 1.000000e+00 : bf16
    %sub3A_723 = vector.broadcast %sub3A_722 : bf16 to vector<160x1024xbf16>
    %sub3A_724 = arith.subf %sub3A_723, %abs3A_721 : vector<160x1024xbf16>
    %max3A_725 = arith.constant 0.000000e+00 : bf16
    %max3A_726 = vector.broadcast %max3A_725 : bf16 to vector<160x1024xbf16>
    %max3A_727 = arith.maximumf %sub3A_724, %max3A_726 : vector<160x1024xbf16>
    %get3A_728 = arith.constant 12 : index
    %get3A_729 = arith.constant 1 : index
    %get3A_730 = arith.constant 0 : index
    %get3A_731 = vector.load %arg1[%get3A_728, %get3A_729, %get3A_730] : memref<32x3x1024xi32, #tpu.memory_space<vmem>>, vector<1x1x1024xi32>
    %get3A_732 = vector.shape_cast %get3A_731 : vector<1x1x1024xi32> to vector<1024xi32>
    %convert_element_type3A_733 = arith.sitofp %get3A_732 : vector<1024xi32> to vector<1024xbf16>
    %broadcast_in_dim3A_734 = vector.shape_cast %convert_element_type3A_733 : vector<1024xbf16> to vector<1x1024xbf16>
    %sub3A_735 = vector.broadcast %broadcast_in_dim3A_734 : vector<1x1024xbf16> to vector<160x1024xbf16>
    %sub3A_736 = arith.subf %convert_element_type3A, %sub3A_735 : vector<160x1024xbf16>
    %abs3A_737 = math.absf %sub3A_736 : vector<160x1024xbf16>
    %sub3A_738 = arith.constant 1.000000e+00 : bf16
    %sub3A_739 = vector.broadcast %sub3A_738 : bf16 to vector<160x1024xbf16>
    %sub3A_740 = arith.subf %sub3A_739, %abs3A_737 : vector<160x1024xbf16>
    %max3A_741 = arith.constant 0.000000e+00 : bf16
    %max3A_742 = vector.broadcast %max3A_741 : bf16 to vector<160x1024xbf16>
    %max3A_743 = arith.maximumf %sub3A_740, %max3A_742 : vector<160x1024xbf16>
    %get3A_744 = arith.constant 12 : index
    %get3A_745 = arith.constant 2 : index
    %get3A_746 = arith.constant 0 : index
    %get3A_747 = vector.load %arg1[%get3A_744, %get3A_745, %get3A_746] : memref<32x3x1024xi32, #tpu.memory_space<vmem>>, vector<1x1x1024xi32>
    %get3A_748 = vector.shape_cast %get3A_747 : vector<1x1x1024xi32> to vector<1024xi32>
    %convert_element_type3A_749 = arith.sitofp %get3A_748 : vector<1024xi32> to vector<1024xbf16>
    %broadcast_in_dim3A_750 = vector.shape_cast %convert_element_type3A_749 : vector<1024xbf16> to vector<1x1024xbf16>
    %sub3A_751 = vector.broadcast %broadcast_in_dim3A_750 : vector<1x1024xbf16> to vector<160x1024xbf16>
    %sub3A_752 = arith.subf %convert_element_type3A, %sub3A_751 : vector<160x1024xbf16>
    %abs3A_753 = math.absf %sub3A_752 : vector<160x1024xbf16>
    %sub3A_754 = arith.constant 1.000000e+00 : bf16
    %sub3A_755 = vector.broadcast %sub3A_754 : bf16 to vector<160x1024xbf16>
    %sub3A_756 = arith.subf %sub3A_755, %abs3A_753 : vector<160x1024xbf16>
    %max3A_757 = arith.constant 0.000000e+00 : bf16
    %max3A_758 = vector.broadcast %max3A_757 : bf16 to vector<160x1024xbf16>
    %max3A_759 = arith.maximumf %sub3A_756, %max3A_758 : vector<160x1024xbf16>
    %concatenate3A_760 = tpu.concatenate %max3A_727, %max3A_743, %max3A_759 in 0 : vector<160x1024xbf16>, vector<160x1024xbf16>, vector<160x1024xbf16> -> vector<480x1024xbf16>
    %get3A_761 = arith.constant 0 : index
    %get3A_762 = arith.constant 0 : index
    %get3A_763 = vector.load %arg2[%get3A_761, %get3A_762] : memref<128x480xbf16, #tpu.memory_space<vmem>>, vector<128x480xbf16>
    %dot_general3A_764 = arith.constant dense<0.000000e+00> : vector<128x1024xf32>
    %dot_general3A_765 = tpu.matmul %get3A_763, %concatenate3A_760, %dot_general3A_764 {dimension_numbers = #tpu.dot_dimension_numbers<[1], [0], [0], [1], [0, 0, 1, 1], [], []>, transpose_lhs_hint = false} : vector<128x480xbf16>, vector<480x1024xbf16>, vector<128x1024xf32> -> vector<128x1024xf32>
    %swap3A_766 = arith.constant 12 : index
    %swap3A_767 = arith.constant 0 : index
    %swap3A_768 = arith.constant 0 : index
    %swap3A_769 = vector.load %arg3[%swap3A_766, %swap3A_767, %swap3A_768] : memref<32x128x1024xf32, #tpu.memory_space<vmem>>, vector<1x128x1024xf32>
    %swap3A_770 = vector.shape_cast %swap3A_769 : vector<1x128x1024xf32> to vector<128x1024xf32>
    %swap3A_771 = vector.shape_cast %dot_general3A_765 : vector<128x1024xf32> to vector<1x128x1024xf32>
    tpu.vector_store %arg3[%swap3A_766, %swap3A_767, %swap3A_768], %swap3A_771 {strides = array<i32>} : memref<32x128x1024xf32, #tpu.memory_space<vmem>>, vector<1x128x1024xf32>,
    %get3A_772 = arith.constant 13 : index
    %get3A_773 = arith.constant 0 : index
    %get3A_774 = arith.constant 0 : index
    %get3A_775 = vector.load %arg1[%get3A_772, %get3A_773, %get3A_774] : memref<32x3x1024xi32, #tpu.memory_space<vmem>>, vector<1x1x1024xi32>
    %get3A_776 = vector.shape_cast %get3A_775 : vector<1x1x1024xi32> to vector<1024xi32>
    %convert_element_type3A_777 = arith.sitofp %get3A_776 : vector<1024xi32> to vector<1024xbf16>
    %broadcast_in_dim3A_778 = vector.shape_cast %convert_element_type3A_777 : vector<1024xbf16> to vector<1x1024xbf16>
    %sub3A_779 = vector.broadcast %broadcast_in_dim3A_778 : vector<1x1024xbf16> to vector<160x1024xbf16>
    %sub3A_780 = arith.subf %convert_element_type3A, %sub3A_779 : vector<160x1024xbf16>
    %abs3A_781 = math.absf %sub3A_780 : vector<160x1024xbf16>
    %sub3A_782 = arith.constant 1.000000e+00 : bf16
    %sub3A_783 = vector.broadcast %sub3A_782 : bf16 to vector<160x1024xbf16>
    %sub3A_784 = arith.subf %sub3A_783, %abs3A_781 : vector<160x1024xbf16>
    %max3A_785 = arith.constant 0.000000e+00 : bf16
    %max3A_786 = vector.broadcast %max3A_785 : bf16 to vector<160x1024xbf16>
    %max3A_787 = arith.maximumf %sub3A_784, %max3A_786 : vector<160x1024xbf16>
    %get3A_788 = arith.constant 13 : index
    %get3A_789 = arith.constant 1 : index
    %get3A_790 = arith.constant 0 : index
    %get3A_791 = vector.load %arg1[%get3A_788, %get3A_789, %get3A_790] : memref<32x3x1024xi32, #tpu.memory_space<vmem>>, vector<1x1x1024xi32>
    %get3A_792 = vector.shape_cast %get3A_791 : vector<1x1x1024xi32> to vector<1024xi32>
    %convert_element_type3A_793 = arith.sitofp %get3A_792 : vector<1024xi32> to vector<1024xbf16>
    %broadcast_in_dim3A_794 = vector.shape_cast %convert_element_type3A_793 : vector<1024xbf16> to vector<1x1024xbf16>
    %sub3A_795 = vector.broadcast %broadcast_in_dim3A_794 : vector<1x1024xbf16> to vector<160x1024xbf16>
    %sub3A_796 = arith.subf %convert_element_type3A, %sub3A_795 : vector<160x1024xbf16>
    %abs3A_797 = math.absf %sub3A_796 : vector<160x1024xbf16>
    %sub3A_798 = arith.constant 1.000000e+00 : bf16
    %sub3A_799 = vector.broadcast %sub3A_798 : bf16 to vector<160x1024xbf16>
    %sub3A_800 = arith.subf %sub3A_799, %abs3A_797 : vector<160x1024xbf16>
    %max3A_801 = arith.constant 0.000000e+00 : bf16
    %max3A_802 = vector.broadcast %max3A_801 : bf16 to vector<160x1024xbf16>
    %max3A_803 = arith.maximumf %sub3A_800, %max3A_802 : vector<160x1024xbf16>
    %get3A_804 = arith.constant 13 : index
    %get3A_805 = arith.constant 2 : index
    %get3A_806 = arith.constant 0 : index
    %get3A_807 = vector.load %arg1[%get3A_804, %get3A_805, %get3A_806] : memref<32x3x1024xi32, #tpu.memory_space<vmem>>, vector<1x1x1024xi32>
    %get3A_808 = vector.shape_cast %get3A_807 : vector<1x1x1024xi32> to vector<1024xi32>
    %convert_element_type3A_809 = arith.sitofp %get3A_808 : vector<1024xi32> to vector<1024xbf16>
    %broadcast_in_dim3A_810 = vector.shape_cast %convert_element_type3A_809 : vector<1024xbf16> to vector<1x1024xbf16>
    %sub3A_811 = vector.broadcast %broadcast_in_dim3A_810 : vector<1x1024xbf16> to vector<160x1024xbf16>
    %sub3A_812 = arith.subf %convert_element_type3A, %sub3A_811 : vector<160x1024xbf16>
    %abs3A_813 = math.absf %sub3A_812 : vector<160x1024xbf16>
    %sub3A_814 = arith.constant 1.000000e+00 : bf16
    %sub3A_815 = vector.broadcast %sub3A_814 : bf16 to vector<160x1024xbf16>
    %sub3A_816 = arith.subf %sub3A_815, %abs3A_813 : vector<160x1024xbf16>
    %max3A_817 = arith.constant 0.000000e+00 : bf16
    %max3A_818 = vector.broadcast %max3A_817 : bf16 to vector<160x1024xbf16>
    %max3A_819 = arith.maximumf %sub3A_816, %max3A_818 : vector<160x1024xbf16>
    %concatenate3A_820 = tpu.concatenate %max3A_787, %max3A_803, %max3A_819 in 0 : vector<160x1024xbf16>, vector<160x1024xbf16>, vector<160x1024xbf16> -> vector<480x1024xbf16>
    %get3A_821 = arith.constant 0 : index
    %get3A_822 = arith.constant 0 : index
    %get3A_823 = vector.load %arg2[%get3A_821, %get3A_822] : memref<128x480xbf16, #tpu.memory_space<vmem>>, vector<128x480xbf16>
    %dot_general3A_824 = arith.constant dense<0.000000e+00> : vector<128x1024xf32>
    %dot_general3A_825 = tpu.matmul %get3A_823, %concatenate3A_820, %dot_general3A_824 {dimension_numbers = #tpu.dot_dimension_numbers<[1], [0], [0], [1], [0, 0, 1, 1], [], []>, transpose_lhs_hint = false} : vector<128x480xbf16>, vector<480x1024xbf16>, vector<128x1024xf32> -> vector<128x1024xf32>
    %swap3A_826 = arith.constant 13 : index
    %swap3A_827 = arith.constant 0 : index
    %swap3A_828 = arith.constant 0 : index
    %swap3A_829 = vector.load %arg3[%swap3A_826, %swap3A_827, %swap3A_828] : memref<32x128x1024xf32, #tpu.memory_space<vmem>>, vector<1x128x1024xf32>
    %swap3A_830 = vector.shape_cast %swap3A_829 : vector<1x128x1024xf32> to vector<128x1024xf32>
    %swap3A_831 = vector.shape_cast %dot_general3A_825 : vector<128x1024xf32> to vector<1x128x1024xf32>
    tpu.vector_store %arg3[%swap3A_826, %swap3A_827, %swap3A_828], %swap3A_831 {strides = array<i32>} : memref<32x128x1024xf32, #tpu.memory_space<vmem>>, vector<1x128x1024xf32>,
    %get3A_832 = arith.constant 14 : index
    %get3A_833 = arith.constant 0 : index
    %get3A_834 = arith.constant 0 : index
    %get3A_835 = vector.load %arg1[%get3A_832, %get3A_833, %get3A_834] : memref<32x3x1024xi32, #tpu.memory_space<vmem>>, vector<1x1x1024xi32>
    %get3A_836 = vector.shape_cast %get3A_835 : vector<1x1x1024xi32> to vector<1024xi32>
    %convert_element_type3A_837 = arith.sitofp %get3A_836 : vector<1024xi32> to vector<1024xbf16>
    %broadcast_in_dim3A_838 = vector.shape_cast %convert_element_type3A_837 : vector<1024xbf16> to vector<1x1024xbf16>
    %sub3A_839 = vector.broadcast %broadcast_in_dim3A_838 : vector<1x1024xbf16> to vector<160x1024xbf16>
    %sub3A_840 = arith.subf %convert_element_type3A, %sub3A_839 : vector<160x1024xbf16>
    %abs3A_841 = math.absf %sub3A_840 : vector<160x1024xbf16>
    %sub3A_842 = arith.constant 1.000000e+00 : bf16
    %sub3A_843 = vector.broadcast %sub3A_842 : bf16 to vector<160x1024xbf16>
    %sub3A_844 = arith.subf %sub3A_843, %abs3A_841 : vector<160x1024xbf16>
    %max3A_845 = arith.constant 0.000000e+00 : bf16
    %max3A_846 = vector.broadcast %max3A_845 : bf16 to vector<160x1024xbf16>
    %max3A_847 = arith.maximumf %sub3A_844, %max3A_846 : vector<160x1024xbf16>
    %get3A_848 = arith.constant 14 : index
    %get3A_849 = arith.constant 1 : index
    %get3A_850 = arith.constant 0 : index
    %get3A_851 = vector.load %arg1[%get3A_848, %get3A_849, %get3A_850] : memref<32x3x1024xi32, #tpu.memory_space<vmem>>, vector<1x1x1024xi32>
    %get3A_852 = vector.shape_cast %get3A_851 : vector<1x1x1024xi32> to vector<1024xi32>
    %convert_element_type3A_853 = arith.sitofp %get3A_852 : vector<1024xi32> to vector<1024xbf16>
    %broadcast_in_dim3A_854 = vector.shape_cast %convert_element_type3A_853 : vector<1024xbf16> to vector<1x1024xbf16>
    %sub3A_855 = vector.broadcast %broadcast_in_dim3A_854 : vector<1x1024xbf16> to vector<160x1024xbf16>
    %sub3A_856 = arith.subf %convert_element_type3A, %sub3A_855 : vector<160x1024xbf16>
    %abs3A_857 = math.absf %sub3A_856 : vector<160x1024xbf16>
    %sub3A_858 = arith.constant 1.000000e+00 : bf16
    %sub3A_859 = vector.broadcast %sub3A_858 : bf16 to vector<160x1024xbf16>
    %sub3A_860 = arith.subf %sub3A_859, %abs3A_857 : vector<160x1024xbf16>
    %max3A_861 = arith.constant 0.000000e+00 : bf16
    %max3A_862 = vector.broadcast %max3A_861 : bf16 to vector<160x1024xbf16>
    %max3A_863 = arith.maximumf %sub3A_860, %max3A_862 : vector<160x1024xbf16>
    %get3A_864 = arith.constant 14 : index
    %get3A_865 = arith.constant 2 : index
    %get3A_866 = arith.constant 0 : index
    %get3A_867 = vector.load %arg1[%get3A_864, %get3A_865, %get3A_866] : memref<32x3x1024xi32, #tpu.memory_space<vmem>>, vector<1x1x1024xi32>
    %get3A_868 = vector.shape_cast %get3A_867 : vector<1x1x1024xi32> to vector<1024xi32>
    %convert_element_type3A_869 = arith.sitofp %get3A_868 : vector<1024xi32> to vector<1024xbf16>
    %broadcast_in_dim3A_870 = vector.shape_cast %convert_element_type3A_869 : vector<1024xbf16> to vector<1x1024xbf16>
    %sub3A_871 = vector.broadcast %broadcast_in_dim3A_870 : vector<1x1024xbf16> to vector<160x1024xbf16>
    %sub3A_872 = arith.subf %convert_element_type3A, %sub3A_871 : vector<160x1024xbf16>
    %abs3A_873 = math.absf %sub3A_872 : vector<160x1024xbf16>
    %sub3A_874 = arith.constant 1.000000e+00 : bf16
    %sub3A_875 = vector.broadcast %sub3A_874 : bf16 to vector<160x1024xbf16>
    %sub3A_876 = arith.subf %sub3A_875, %abs3A_873 : vector<160x1024xbf16>
    %max3A_877 = arith.constant 0.000000e+00 : bf16
    %max3A_878 = vector.broadcast %max3A_877 : bf16 to vector<160x1024xbf16>
    %max3A_879 = arith.maximumf %sub3A_876, %max3A_878 : vector<160x1024xbf16>
    %concatenate3A_880 = tpu.concatenate %max3A_847, %max3A_863, %max3A_879 in 0 : vector<160x1024xbf16>, vector<160x1024xbf16>, vector<160x1024xbf16> -> vector<480x1024xbf16>
    %get3A_881 = arith.constant 0 : index
    %get3A_882 = arith.constant 0 : index
    %get3A_883 = vector.load %arg2[%get3A_881, %get3A_882] : memref<128x480xbf16, #tpu.memory_space<vmem>>, vector<128x480xbf16>
    %dot_general3A_884 = arith.constant dense<0.000000e+00> : vector<128x1024xf32>
    %dot_general3A_885 = tpu.matmul %get3A_883, %concatenate3A_880, %dot_general3A_884 {dimension_numbers = #tpu.dot_dimension_numbers<[1], [0], [0], [1], [0, 0, 1, 1], [], []>, transpose_lhs_hint = false} : vector<128x480xbf16>, vector<480x1024xbf16>, vector<128x1024xf32> -> vector<128x1024xf32>
    %swap3A_886 = arith.constant 14 : index
    %swap3A_887 = arith.constant 0 : index
    %swap3A_888 = arith.constant 0 : index
    %swap3A_889 = vector.load %arg3[%swap3A_886, %swap3A_887, %swap3A_888] : memref<32x128x1024xf32, #tpu.memory_space<vmem>>, vector<1x128x1024xf32>
    %swap3A_890 = vector.shape_cast %swap3A_889 : vector<1x128x1024xf32> to vector<128x1024xf32>
    %swap3A_891 = vector.shape_cast %dot_general3A_885 : vector<128x1024xf32> to vector<1x128x1024xf32>
    tpu.vector_store %arg3[%swap3A_886, %swap3A_887, %swap3A_888], %swap3A_891 {strides = array<i32>} : memref<32x128x1024xf32, #tpu.memory_space<vmem>>, vector<1x128x1024xf32>,
    %get3A_892 = arith.constant 15 : index
    %get3A_893 = arith.constant 0 : index
    %get3A_894 = arith.constant 0 : index
    %get3A_895 = vector.load %arg1[%get3A_892, %get3A_893, %get3A_894] : memref<32x3x1024xi32, #tpu.memory_space<vmem>>, vector<1x1x1024xi32>
    %get3A_896 = vector.shape_cast %get3A_895 : vector<1x1x1024xi32> to vector<1024xi32>
    %convert_element_type3A_897 = arith.sitofp %get3A_896 : vector<1024xi32> to vector<1024xbf16>
    %broadcast_in_dim3A_898 = vector.shape_cast %convert_element_type3A_897 : vector<1024xbf16> to vector<1x1024xbf16>
    %sub3A_899 = vector.broadcast %broadcast_in_dim3A_898 : vector<1x1024xbf16> to vector<160x1024xbf16>
    %sub3A_900 = arith.subf %convert_element_type3A, %sub3A_899 : vector<160x1024xbf16>
    %abs3A_901 = math.absf %sub3A_900 : vector<160x1024xbf16>
    %sub3A_902 = arith.constant 1.000000e+00 : bf16
    %sub3A_903 = vector.broadcast %sub3A_902 : bf16 to vector<160x1024xbf16>
    %sub3A_904 = arith.subf %sub3A_903, %abs3A_901 : vector<160x1024xbf16>
    %max3A_905 = arith.constant 0.000000e+00 : bf16
    %max3A_906 = vector.broadcast %max3A_905 : bf16 to vector<160x1024xbf16>
    %max3A_907 = arith.maximumf %sub3A_904, %max3A_906 : vector<160x1024xbf16>
    %get3A_908 = arith.constant 15 : index
    %get3A_909 = arith.constant 1 : index
    %get3A_910 = arith.constant 0 : index
    %get3A_911 = vector.load %arg1[%get3A_908, %get3A_909, %get3A_910] : memref<32x3x1024xi32, #tpu.memory_space<vmem>>, vector<1x1x1024xi32>
    %get3A_912 = vector.shape_cast %get3A_911 : vector<1x1x1024xi32> to vector<1024xi32>
    %convert_element_type3A_913 = arith.sitofp %get3A_912 : vector<1024xi32> to vector<1024xbf16>
    %broadcast_in_dim3A_914 = vector.shape_cast %convert_element_type3A_913 : vector<1024xbf16> to vector<1x1024xbf16>
    %sub3A_915 = vector.broadcast %broadcast_in_dim3A_914 : vector<1x1024xbf16> to vector<160x1024xbf16>
    %sub3A_916 = arith.subf %convert_element_type3A, %sub3A_915 : vector<160x1024xbf16>
    %abs3A_917 = math.absf %sub3A_916 : vector<160x1024xbf16>
    %sub3A_918 = arith.constant 1.000000e+00 : bf16
    %sub3A_919 = vector.broadcast %sub3A_918 : bf16 to vector<160x1024xbf16>
    %sub3A_920 = arith.subf %sub3A_919, %abs3A_917 : vector<160x1024xbf16>
    %max3A_921 = arith.constant 0.000000e+00 : bf16
    %max3A_922 = vector.broadcast %max3A_921 : bf16 to vector<160x1024xbf16>
    %max3A_923 = arith.maximumf %sub3A_920, %max3A_922 : vector<160x1024xbf16>
    %get3A_924 = arith.constant 15 : index
    %get3A_925 = arith.constant 2 : index
    %get3A_926 = arith.constant 0 : index
    %get3A_927 = vector.load %arg1[%get3A_924, %get3A_925, %get3A_926] : memref<32x3x1024xi32, #tpu.memory_space<vmem>>, vector<1x1x1024xi32>
    %get3A_928 = vector.shape_cast %get3A_927 : vector<1x1x1024xi32> to vector<1024xi32>
    %convert_element_type3A_929 = arith.sitofp %get3A_928 : vector<1024xi32> to vector<1024xbf16>
    %broadcast_in_dim3A_930 = vector.shape_cast %convert_element_type3A_929 : vector<1024xbf16> to vector<1x1024xbf16>
    %sub3A_931 = vector.broadcast %broadcast_in_dim3A_930 : vector<1x1024xbf16> to vector<160x1024xbf16>
    %sub3A_932 = arith.subf %convert_element_type3A, %sub3A_931 : vector<160x1024xbf16>
    %abs3A_933 = math.absf %sub3A_932 : vector<160x1024xbf16>
    %sub3A_934 = arith.constant 1.000000e+00 : bf16
    %sub3A_935 = vector.broadcast %sub3A_934 : bf16 to vector<160x1024xbf16>
    %sub3A_936 = arith.subf %sub3A_935, %abs3A_933 : vector<160x1024xbf16>
    %max3A_937 = arith.constant 0.000000e+00 : bf16
    %max3A_938 = vector.broadcast %max3A_937 : bf16 to vector<160x1024xbf16>
    %max3A_939 = arith.maximumf %sub3A_936, %max3A_938 : vector<160x1024xbf16>
    %concatenate3A_940 = tpu.concatenate %max3A_907, %max3A_923, %max3A_939 in 0 : vector<160x1024xbf16>, vector<160x1024xbf16>, vector<160x1024xbf16> -> vector<480x1024xbf16>
    %get3A_941 = arith.constant 0 : index
    %get3A_942 = arith.constant 0 : index
    %get3A_943 = vector.load %arg2[%get3A_941, %get3A_942] : memref<128x480xbf16, #tpu.memory_space<vmem>>, vector<128x480xbf16>
    %dot_general3A_944 = arith.constant dense<0.000000e+00> : vector<128x1024xf32>
    %dot_general3A_945 = tpu.matmul %get3A_943, %concatenate3A_940, %dot_general3A_944 {dimension_numbers = #tpu.dot_dimension_numbers<[1], [0], [0], [1], [0, 0, 1, 1], [], []>, transpose_lhs_hint = false} : vector<128x480xbf16>, vector<480x1024xbf16>, vector<128x1024xf32> -> vector<128x1024xf32>
    %swap3A_946 = arith.constant 15 : index
    %swap3A_947 = arith.constant 0 : index
    %swap3A_948 = arith.constant 0 : index
    %swap3A_949 = vector.load %arg3[%swap3A_946, %swap3A_947, %swap3A_948] : memref<32x128x1024xf32, #tpu.memory_space<vmem>>, vector<1x128x1024xf32>
    %swap3A_950 = vector.shape_cast %swap3A_949 : vector<1x128x1024xf32> to vector<128x1024xf32>
    %swap3A_951 = vector.shape_cast %dot_general3A_945 : vector<128x1024xf32> to vector<1x128x1024xf32>
    tpu.vector_store %arg3[%swap3A_946, %swap3A_947, %swap3A_948], %swap3A_951 {strides = array<i32>} : memref<32x128x1024xf32, #tpu.memory_space<vmem>>, vector<1x128x1024xf32>,
    %get3A_952 = arith.constant 16 : index
    %get3A_953 = arith.constant 0 : index
    %get3A_954 = arith.constant 0 : index
    %get3A_955 = vector.load %arg1[%get3A_952, %get3A_953, %get3A_954] : memref<32x3x1024xi32, #tpu.memory_space<vmem>>, vector<1x1x1024xi32>
    %get3A_956 = vector.shape_cast %get3A_955 : vector<1x1x1024xi32> to vector<1024xi32>
    %convert_element_type3A_957 = arith.sitofp %get3A_956 : vector<1024xi32> to vector<1024xbf16>
    %broadcast_in_dim3A_958 = vector.shape_cast %convert_element_type3A_957 : vector<1024xbf16> to vector<1x1024xbf16>
    %sub3A_959 = vector.broadcast %broadcast_in_dim3A_958 : vector<1x1024xbf16> to vector<160x1024xbf16>
    %sub3A_960 = arith.subf %convert_element_type3A, %sub3A_959 : vector<160x1024xbf16>
    %abs3A_961 = math.absf %sub3A_960 : vector<160x1024xbf16>
    %sub3A_962 = arith.constant 1.000000e+00 : bf16
    %sub3A_963 = vector.broadcast %sub3A_962 : bf16 to vector<160x1024xbf16>
    %sub3A_964 = arith.subf %sub3A_963, %abs3A_961 : vector<160x1024xbf16>
    %max3A_965 = arith.constant 0.000000e+00 : bf16
    %max3A_966 = vector.broadcast %max3A_965 : bf16 to vector<160x1024xbf16>
    %max3A_967 = arith.maximumf %sub3A_964, %max3A_966 : vector<160x1024xbf16>
    %get3A_968 = arith.constant 16 : index
    %get3A_969 = arith.constant 1 : index
    %get3A_970 = arith.constant 0 : index
    %get3A_971 = vector.load %arg1[%get3A_968, %get3A_969, %get3A_970] : memref<32x3x1024xi32, #tpu.memory_space<vmem>>, vector<1x1x1024xi32>
    %get3A_972 = vector.shape_cast %get3A_971 : vector<1x1x1024xi32> to vector<1024xi32>
    %convert_element_type3A_973 = arith.sitofp %get3A_972 : vector<1024xi32> to vector<1024xbf16>
    %broadcast_in_dim3A_974 = vector.shape_cast %convert_element_type3A_973 : vector<1024xbf16> to vector<1x1024xbf16>
    %sub3A_975 = vector.broadcast %broadcast_in_dim3A_974 : vector<1x1024xbf16> to vector<160x1024xbf16>
    %sub3A_976 = arith.subf %convert_element_type3A, %sub3A_975 : vector<160x1024xbf16>
    %abs3A_977 = math.absf %sub3A_976 : vector<160x1024xbf16>
    %sub3A_978 = arith.constant 1.000000e+00 : bf16
    %sub3A_979 = vector.broadcast %sub3A_978 : bf16 to vector<160x1024xbf16>
    %sub3A_980 = arith.subf %sub3A_979, %abs3A_977 : vector<160x1024xbf16>
    %max3A_981 = arith.constant 0.000000e+00 : bf16
    %max3A_982 = vector.broadcast %max3A_981 : bf16 to vector<160x1024xbf16>
    %max3A_983 = arith.maximumf %sub3A_980, %max3A_982 : vector<160x1024xbf16>
    %get3A_984 = arith.constant 16 : index
    %get3A_985 = arith.constant 2 : index
    %get3A_986 = arith.constant 0 : index
    %get3A_987 = vector.load %arg1[%get3A_984, %get3A_985, %get3A_986] : memref<32x3x1024xi32, #tpu.memory_space<vmem>>, vector<1x1x1024xi32>
    %get3A_988 = vector.shape_cast %get3A_987 : vector<1x1x1024xi32> to vector<1024xi32>
    %convert_element_type3A_989 = arith.sitofp %get3A_988 : vector<1024xi32> to vector<1024xbf16>
    %broadcast_in_dim3A_990 = vector.shape_cast %convert_element_type3A_989 : vector<1024xbf16> to vector<1x1024xbf16>
    %sub3A_991 = vector.broadcast %broadcast_in_dim3A_990 : vector<1x1024xbf16> to vector<160x1024xbf16>
    %sub3A_992 = arith.subf %convert_element_type3A, %sub3A_991 : vector<160x1024xbf16>
    %abs3A_993 = math.absf %sub3A_992 : vector<160x1024xbf16>
    %sub3A_994 = arith.constant 1.000000e+00 : bf16
    %sub3A_995 = vector.broadcast %sub3A_994 : bf16 to vector<160x1024xbf16>
    %sub3A_996 = arith.subf %sub3A_995, %abs3A_993 : vector<160x1024xbf16>
    %max3A_997 = arith.constant 0.000000e+00 : bf16
    %max3A_998 = vector.broadcast %max3A_997 : bf16 to vector<160x1024xbf16>
    %max3A_999 = arith.maximumf %sub3A_996, %max3A_998 : vector<160x1024xbf16>
    %concatenate3A_1000 = tpu.concatenate %max3A_967, %max3A_983, %max3A_999 in 0 : vector<160x1024xbf16>, vector<160x1024xbf16>, vector<160x1024xbf16> -> vector<480x1024xbf16>
    %get3A_1001 = arith.constant 0 : index
    %get3A_1002 = arith.constant 0 : index
    %get3A_1003 = vector.load %arg2[%get3A_1001, %get3A_1002] : memref<128x480xbf16, #tpu.memory_space<vmem>>, vector<128x480xbf16>
    %dot_general3A_1004 = arith.constant dense<0.000000e+00> : vector<128x1024xf32>
    %dot_general3A_1005 = tpu.matmul %get3A_1003, %concatenate3A_1000, %dot_general3A_1004 {dimension_numbers = #tpu.dot_dimension_numbers<[1], [0], [0], [1], [0, 0, 1, 1], [], []>, transpose_lhs_hint = false} : vector<128x480xbf16>, vector<480x1024xbf16>, vector<128x1024xf32> -> vector<128x1024xf32>
    %swap3A_1006 = arith.constant 16 : index
    %swap3A_1007 = arith.constant 0 : index
    %swap3A_1008 = arith.constant 0 : index
    %swap3A_1009 = vector.load %arg3[%swap3A_1006, %swap3A_1007, %swap3A_1008] : memref<32x128x1024xf32, #tpu.memory_space<vmem>>, vector<1x128x1024xf32>
    %swap3A_1010 = vector.shape_cast %swap3A_1009 : vector<1x128x1024xf32> to vector<128x1024xf32>
    %swap3A_1011 = vector.shape_cast %dot_general3A_1005 : vector<128x1024xf32> to vector<1x128x1024xf32>
    tpu.vector_store %arg3[%swap3A_1006, %swap3A_1007, %swap3A_1008], %swap3A_1011 {strides = array<i32>} : memref<32x128x1024xf32, #tpu.memory_space<vmem>>, vector<1x128x1024xf32>,
    %get3A_1012 = arith.constant 17 : index
    %get3A_1013 = arith.constant 0 : index
    %get3A_1014 = arith.constant 0 : index
    %get3A_1015 = vector.load %arg1[%get3A_1012, %get3A_1013, %get3A_1014] : memref<32x3x1024xi32, #tpu.memory_space<vmem>>, vector<1x1x1024xi32>
    %get3A_1016 = vector.shape_cast %get3A_1015 : vector<1x1x1024xi32> to vector<1024xi32>
    %convert_element_type3A_1017 = arith.sitofp %get3A_1016 : vector<1024xi32> to vector<1024xbf16>
    %broadcast_in_dim3A_1018 = vector.shape_cast %convert_element_type3A_1017 : vector<1024xbf16> to vector<1x1024xbf16>
    %sub3A_1019 = vector.broadcast %broadcast_in_dim3A_1018 : vector<1x1024xbf16> to vector<160x1024xbf16>
    %sub3A_1020 = arith.subf %convert_element_type3A, %sub3A_1019 : vector<160x1024xbf16>
    %abs3A_1021 = math.absf %sub3A_1020 : vector<160x1024xbf16>
    %sub3A_1022 = arith.constant 1.000000e+00 : bf16
    %sub3A_1023 = vector.broadcast %sub3A_1022 : bf16 to vector<160x1024xbf16>
    %sub3A_1024 = arith.subf %sub3A_1023, %abs3A_1021 : vector<160x1024xbf16>
    %max3A_1025 = arith.constant 0.000000e+00 : bf16
    %max3A_1026 = vector.broadcast %max3A_1025 : bf16 to vector<160x1024xbf16>
    %max3A_1027 = arith.maximumf %sub3A_1024, %max3A_1026 : vector<160x1024xbf16>
    %get3A_1028 = arith.constant 17 : index
    %get3A_1029 = arith.constant 1 : index
    %get3A_1030 = arith.constant 0 : index
    %get3A_1031 = vector.load %arg1[%get3A_1028, %get3A_1029, %get3A_1030] : memref<32x3x1024xi32, #tpu.memory_space<vmem>>, vector<1x1x1024xi32>
    %get3A_1032 = vector.shape_cast %get3A_1031 : vector<1x1x1024xi32> to vector<1024xi32>
    %convert_element_type3A_1033 = arith.sitofp %get3A_1032 : vector<1024xi32> to vector<1024xbf16>
    %broadcast_in_dim3A_1034 = vector.shape_cast %convert_element_type3A_1033 : vector<1024xbf16> to vector<1x1024xbf16>
    %sub3A_1035 = vector.broadcast %broadcast_in_dim3A_1034 : vector<1x1024xbf16> to vector<160x1024xbf16>
    %sub3A_1036 = arith.subf %convert_element_type3A, %sub3A_1035 : vector<160x1024xbf16>
    %abs3A_1037 = math.absf %sub3A_1036 : vector<160x1024xbf16>
    %sub3A_1038 = arith.constant 1.000000e+00 : bf16
    %sub3A_1039 = vector.broadcast %sub3A_1038 : bf16 to vector<160x1024xbf16>
    %sub3A_1040 = arith.subf %sub3A_1039, %abs3A_1037 : vector<160x1024xbf16>
    %max3A_1041 = arith.constant 0.000000e+00 : bf16
    %max3A_1042 = vector.broadcast %max3A_1041 : bf16 to vector<160x1024xbf16>
    %max3A_1043 = arith.maximumf %sub3A_1040, %max3A_1042 : vector<160x1024xbf16>
    %get3A_1044 = arith.constant 17 : index
    %get3A_1045 = arith.constant 2 : index
    %get3A_1046 = arith.constant 0 : index
    %get3A_1047 = vector.load %arg1[%get3A_1044, %get3A_1045, %get3A_1046] : memref<32x3x1024xi32, #tpu.memory_space<vmem>>, vector<1x1x1024xi32>
    %get3A_1048 = vector.shape_cast %get3A_1047 : vector<1x1x1024xi32> to vector<1024xi32>
    %convert_element_type3A_1049 = arith.sitofp %get3A_1048 : vector<1024xi32> to vector<1024xbf16>
    %broadcast_in_dim3A_1050 = vector.shape_cast %convert_element_type3A_1049 : vector<1024xbf16> to vector<1x1024xbf16>
    %sub3A_1051 = vector.broadcast %broadcast_in_dim3A_1050 : vector<1x1024xbf16> to vector<160x1024xbf16>
    %sub3A_1052 = arith.subf %convert_element_type3A, %sub3A_1051 : vector<160x1024xbf16>
    %abs3A_1053 = math.absf %sub3A_1052 : vector<160x1024xbf16>
    %sub3A_1054 = arith.constant 1.000000e+00 : bf16
    %sub3A_1055 = vector.broadcast %sub3A_1054 : bf16 to vector<160x1024xbf16>
    %sub3A_1056 = arith.subf %sub3A_1055, %abs3A_1053 : vector<160x1024xbf16>
    %max3A_1057 = arith.constant 0.000000e+00 : bf16
    %max3A_1058 = vector.broadcast %max3A_1057 : bf16 to vector<160x1024xbf16>
    %max3A_1059 = arith.maximumf %sub3A_1056, %max3A_1058 : vector<160x1024xbf16>
    %concatenate3A_1060 = tpu.concatenate %max3A_1027, %max3A_1043, %max3A_1059 in 0 : vector<160x1024xbf16>, vector<160x1024xbf16>, vector<160x1024xbf16> -> vector<480x1024xbf16>
    %get3A_1061 = arith.constant 0 : index
    %get3A_1062 = arith.constant 0 : index
    %get3A_1063 = vector.load %arg2[%get3A_1061, %get3A_1062] : memref<128x480xbf16, #tpu.memory_space<vmem>>, vector<128x480xbf16>
    %dot_general3A_1064 = arith.constant dense<0.000000e+00> : vector<128x1024xf32>
    %dot_general3A_1065 = tpu.matmul %get3A_1063, %concatenate3A_1060, %dot_general3A_1064 {dimension_numbers = #tpu.dot_dimension_numbers<[1], [0], [0], [1], [0, 0, 1, 1], [], []>, transpose_lhs_hint = false} : vector<128x480xbf16>, vector<480x1024xbf16>, vector<128x1024xf32> -> vector<128x1024xf32>
    %swap3A_1066 = arith.constant 17 : index
    %swap3A_1067 = arith.constant 0 : index
    %swap3A_1068 = arith.constant 0 : index
    %swap3A_1069 = vector.load %arg3[%swap3A_1066, %swap3A_1067, %swap3A_1068] : memref<32x128x1024xf32, #tpu.memory_space<vmem>>, vector<1x128x1024xf32>
    %swap3A_1070 = vector.shape_cast %swap3A_1069 : vector<1x128x1024xf32> to vector<128x1024xf32>
    %swap3A_1071 = vector.shape_cast %dot_general3A_1065 : vector<128x1024xf32> to vector<1x128x1024xf32>
    tpu.vector_store %arg3[%swap3A_1066, %swap3A_1067, %swap3A_1068], %swap3A_1071 {strides = array<i32>} : memref<32x128x1024xf32, #tpu.memory_space<vmem>>, vector<1x128x1024xf32>,
    %get3A_1072 = arith.constant 18 : index
    %get3A_1073 = arith.constant 0 : index
    %get3A_1074 = arith.constant 0 : index
    %get3A_1075 = vector.load %arg1[%get3A_1072, %get3A_1073, %get3A_1074] : memref<32x3x1024xi32, #tpu.memory_space<vmem>>, vector<1x1x1024xi32>
    %get3A_1076 = vector.shape_cast %get3A_1075 : vector<1x1x1024xi32> to vector<1024xi32>
    %convert_element_type3A_1077 = arith.sitofp %get3A_1076 : vector<1024xi32> to vector<1024xbf16>
    %broadcast_in_dim3A_1078 = vector.shape_cast %convert_element_type3A_1077 : vector<1024xbf16> to vector<1x1024xbf16>
    %sub3A_1079 = vector.broadcast %broadcast_in_dim3A_1078 : vector<1x1024xbf16> to vector<160x1024xbf16>
    %sub3A_1080 = arith.subf %convert_element_type3A, %sub3A_1079 : vector<160x1024xbf16>
    %abs3A_1081 = math.absf %sub3A_1080 : vector<160x1024xbf16>
    %sub3A_1082 = arith.constant 1.000000e+00 : bf16
    %sub3A_1083 = vector.broadcast %sub3A_1082 : bf16 to vector<160x1024xbf16>
    %sub3A_1084 = arith.subf %sub3A_1083, %abs3A_1081 : vector<160x1024xbf16>
    %max3A_1085 = arith.constant 0.000000e+00 : bf16
    %max3A_1086 = vector.broadcast %max3A_1085 : bf16 to vector<160x1024xbf16>
    %max3A_1087 = arith.maximumf %sub3A_1084, %max3A_1086 : vector<160x1024xbf16>
    %get3A_1088 = arith.constant 18 : index
    %get3A_1089 = arith.constant 1 : index
    %get3A_1090 = arith.constant 0 : index
    %get3A_1091 = vector.load %arg1[%get3A_1088, %get3A_1089, %get3A_1090] : memref<32x3x1024xi32, #tpu.memory_space<vmem>>, vector<1x1x1024xi32>
    %get3A_1092 = vector.shape_cast %get3A_1091 : vector<1x1x1024xi32> to vector<1024xi32>
    %convert_element_type3A_1093 = arith.sitofp %get3A_1092 : vector<1024xi32> to vector<1024xbf16>
    %broadcast_in_dim3A_1094 = vector.shape_cast %convert_element_type3A_1093 : vector<1024xbf16> to vector<1x1024xbf16>
    %sub3A_1095 = vector.broadcast %broadcast_in_dim3A_1094 : vector<1x1024xbf16> to vector<160x1024xbf16>
    %sub3A_1096 = arith.subf %convert_element_type3A, %sub3A_1095 : vector<160x1024xbf16>
    %abs3A_1097 = math.absf %sub3A_1096 : vector<160x1024xbf16>
    %sub3A_1098 = arith.constant 1.000000e+00 : bf16
    %sub3A_1099 = vector.broadcast %sub3A_1098 : bf16 to vector<160x1024xbf16>
    %sub3A_1100 = arith.subf %sub3A_1099, %abs3A_1097 : vector<160x1024xbf16>
    %max3A_1101 = arith.constant 0.000000e+00 : bf16
    %max3A_1102 = vector.broadcast %max3A_1101 : bf16 to vector<160x1024xbf16>
    %max3A_1103 = arith.maximumf %sub3A_1100, %max3A_1102 : vector<160x1024xbf16>
    %get3A_1104 = arith.constant 18 : index
    %get3A_1105 = arith.constant 2 : index
    %get3A_1106 = arith.constant 0 : index
    %get3A_1107 = vector.load %arg1[%get3A_1104, %get3A_1105, %get3A_1106] : memref<32x3x1024xi32, #tpu.memory_space<vmem>>, vector<1x1x1024xi32>
    %get3A_1108 = vector.shape_cast %get3A_1107 : vector<1x1x1024xi32> to vector<1024xi32>
    %convert_element_type3A_1109 = arith.sitofp %get3A_1108 : vector<1024xi32> to vector<1024xbf16>
    %broadcast_in_dim3A_1110 = vector.shape_cast %convert_element_type3A_1109 : vector<1024xbf16> to vector<1x1024xbf16>
    %sub3A_1111 = vector.broadcast %broadcast_in_dim3A_1110 : vector<1x1024xbf16> to vector<160x1024xbf16>
    %sub3A_1112 = arith.subf %convert_element_type3A, %sub3A_1111 : vector<160x1024xbf16>
    %abs3A_1113 = math.absf %sub3A_1112 : vector<160x1024xbf16>
    %sub3A_1114 = arith.constant 1.000000e+00 : bf16
    %sub3A_1115 = vector.broadcast %sub3A_1114 : bf16 to vector<160x1024xbf16>
    %sub3A_1116 = arith.subf %sub3A_1115, %abs3A_1113 : vector<160x1024xbf16>
    %max3A_1117 = arith.constant 0.000000e+00 : bf16
    %max3A_1118 = vector.broadcast %max3A_1117 : bf16 to vector<160x1024xbf16>
    %max3A_1119 = arith.maximumf %sub3A_1116, %max3A_1118 : vector<160x1024xbf16>
    %concatenate3A_1120 = tpu.concatenate %max3A_1087, %max3A_1103, %max3A_1119 in 0 : vector<160x1024xbf16>, vector<160x1024xbf16>, vector<160x1024xbf16> -> vector<480x1024xbf16>
    %get3A_1121 = arith.constant 0 : index
    %get3A_1122 = arith.constant 0 : index
    %get3A_1123 = vector.load %arg2[%get3A_1121, %get3A_1122] : memref<128x480xbf16, #tpu.memory_space<vmem>>, vector<128x480xbf16>
    %dot_general3A_1124 = arith.constant dense<0.000000e+00> : vector<128x1024xf32>
    %dot_general3A_1125 = tpu.matmul %get3A_1123, %concatenate3A_1120, %dot_general3A_1124 {dimension_numbers = #tpu.dot_dimension_numbers<[1], [0], [0], [1], [0, 0, 1, 1], [], []>, transpose_lhs_hint = false} : vector<128x480xbf16>, vector<480x1024xbf16>, vector<128x1024xf32> -> vector<128x1024xf32>
    %swap3A_1126 = arith.constant 18 : index
    %swap3A_1127 = arith.constant 0 : index
    %swap3A_1128 = arith.constant 0 : index
    %swap3A_1129 = vector.load %arg3[%swap3A_1126, %swap3A_1127, %swap3A_1128] : memref<32x128x1024xf32, #tpu.memory_space<vmem>>, vector<1x128x1024xf32>
    %swap3A_1130 = vector.shape_cast %swap3A_1129 : vector<1x128x1024xf32> to vector<128x1024xf32>
    %swap3A_1131 = vector.shape_cast %dot_general3A_1125 : vector<128x1024xf32> to vector<1x128x1024xf32>
    tpu.vector_store %arg3[%swap3A_1126, %swap3A_1127, %swap3A_1128], %swap3A_1131 {strides = array<i32>} : memref<32x128x1024xf32, #tpu.memory_space<vmem>>, vector<1x128x1024xf32>,
    %get3A_1132 = arith.constant 19 : index
    %get3A_1133 = arith.constant 0 : index
    %get3A_1134 = arith.constant 0 : index
    %get3A_1135 = vector.load %arg1[%get3A_1132, %get3A_1133, %get3A_1134] : memref<32x3x1024xi32, #tpu.memory_space<vmem>>, vector<1x1x1024xi32>
    %get3A_1136 = vector.shape_cast %get3A_1135 : vector<1x1x1024xi32> to vector<1024xi32>
    %convert_element_type3A_1137 = arith.sitofp %get3A_1136 : vector<1024xi32> to vector<1024xbf16>
    %broadcast_in_dim3A_1138 = vector.shape_cast %convert_element_type3A_1137 : vector<1024xbf16> to vector<1x1024xbf16>
    %sub3A_1139 = vector.broadcast %broadcast_in_dim3A_1138 : vector<1x1024xbf16> to vector<160x1024xbf16>
    %sub3A_1140 = arith.subf %convert_element_type3A, %sub3A_1139 : vector<160x1024xbf16>
    %abs3A_1141 = math.absf %sub3A_1140 : vector<160x1024xbf16>
    %sub3A_1142 = arith.constant 1.000000e+00 : bf16
    %sub3A_1143 = vector.broadcast %sub3A_1142 : bf16 to vector<160x1024xbf16>
    %sub3A_1144 = arith.subf %sub3A_1143, %abs3A_1141 : vector<160x1024xbf16>
    %max3A_1145 = arith.constant 0.000000e+00 : bf16
    %max3A_1146 = vector.broadcast %max3A_1145 : bf16 to vector<160x1024xbf16>
    %max3A_1147 = arith.maximumf %sub3A_1144, %max3A_1146 : vector<160x1024xbf16>
    %get3A_1148 = arith.constant 19 : index
    %get3A_1149 = arith.constant 1 : index
    %get3A_1150 = arith.constant 0 : index
    %get3A_1151 = vector.load %arg1[%get3A_1148, %get3A_1149, %get3A_1150] : memref<32x3x1024xi32, #tpu.memory_space<vmem>>, vector<1x1x1024xi32>
    %get3A_1152 = vector.shape_cast %get3A_1151 : vector<1x1x1024xi32> to vector<1024xi32>
    %convert_element_type3A_1153 = arith.sitofp %get3A_1152 : vector<1024xi32> to vector<1024xbf16>
    %broadcast_in_dim3A_1154 = vector.shape_cast %convert_element_type3A_1153 : vector<1024xbf16> to vector<1x1024xbf16>
    %sub3A_1155 = vector.broadcast %broadcast_in_dim3A_1154 : vector<1x1024xbf16> to vector<160x1024xbf16>
    %sub3A_1156 = arith.subf %convert_element_type3A, %sub3A_1155 : vector<160x1024xbf16>
    %abs3A_1157 = math.absf %sub3A_1156 : vector<160x1024xbf16>
    %sub3A_1158 = arith.constant 1.000000e+00 : bf16
    %sub3A_1159 = vector.broadcast %sub3A_1158 : bf16 to vector<160x1024xbf16>
    %sub3A_1160 = arith.subf %sub3A_1159, %abs3A_1157 : vector<160x1024xbf16>
    %max3A_1161 = arith.constant 0.000000e+00 : bf16
    %max3A_1162 = vector.broadcast %max3A_1161 : bf16 to vector<160x1024xbf16>
    %max3A_1163 = arith.maximumf %sub3A_1160, %max3A_1162 : vector<160x1024xbf16>
    %get3A_1164 = arith.constant 19 : index
    %get3A_1165 = arith.constant 2 : index
    %get3A_1166 = arith.constant 0 : index
    %get3A_1167 = vector.load %arg1[%get3A_1164, %get3A_1165, %get3A_1166] : memref<32x3x1024xi32, #tpu.memory_space<vmem>>, vector<1x1x1024xi32>
    %get3A_1168 = vector.shape_cast %get3A_1167 : vector<1x1x1024xi32> to vector<1024xi32>
    %convert_element_type3A_1169 = arith.sitofp %get3A_1168 : vector<1024xi32> to vector<1024xbf16>
    %broadcast_in_dim3A_1170 = vector.shape_cast %convert_element_type3A_1169 : vector<1024xbf16> to vector<1x1024xbf16>
    %sub3A_1171 = vector.broadcast %broadcast_in_dim3A_1170 : vector<1x1024xbf16> to vector<160x1024xbf16>
    %sub3A_1172 = arith.subf %convert_element_type3A, %sub3A_1171 : vector<160x1024xbf16>
    %abs3A_1173 = math.absf %sub3A_1172 : vector<160x1024xbf16>
    %sub3A_1174 = arith.constant 1.000000e+00 : bf16
    %sub3A_1175 = vector.broadcast %sub3A_1174 : bf16 to vector<160x1024xbf16>
    %sub3A_1176 = arith.subf %sub3A_1175, %abs3A_1173 : vector<160x1024xbf16>
    %max3A_1177 = arith.constant 0.000000e+00 : bf16
    %max3A_1178 = vector.broadcast %max3A_1177 : bf16 to vector<160x1024xbf16>
    %max3A_1179 = arith.maximumf %sub3A_1176, %max3A_1178 : vector<160x1024xbf16>
    %concatenate3A_1180 = tpu.concatenate %max3A_1147, %max3A_1163, %max3A_1179 in 0 : vector<160x1024xbf16>, vector<160x1024xbf16>, vector<160x1024xbf16> -> vector<480x1024xbf16>
    %get3A_1181 = arith.constant 0 : index
    %get3A_1182 = arith.constant 0 : index
    %get3A_1183 = vector.load %arg2[%get3A_1181, %get3A_1182] : memref<128x480xbf16, #tpu.memory_space<vmem>>, vector<128x480xbf16>
    %dot_general3A_1184 = arith.constant dense<0.000000e+00> : vector<128x1024xf32>
    %dot_general3A_1185 = tpu.matmul %get3A_1183, %concatenate3A_1180, %dot_general3A_1184 {dimension_numbers = #tpu.dot_dimension_numbers<[1], [0], [0], [1], [0, 0, 1, 1], [], []>, transpose_lhs_hint = false} : vector<128x480xbf16>, vector<480x1024xbf16>, vector<128x1024xf32> -> vector<128x1024xf32>
    %swap3A_1186 = arith.constant 19 : index
    %swap3A_1187 = arith.constant 0 : index
    %swap3A_1188 = arith.constant 0 : index
    %swap3A_1189 = vector.load %arg3[%swap3A_1186, %swap3A_1187, %swap3A_1188] : memref<32x128x1024xf32, #tpu.memory_space<vmem>>, vector<1x128x1024xf32>
    %swap3A_1190 = vector.shape_cast %swap3A_1189 : vector<1x128x1024xf32> to vector<128x1024xf32>
    %swap3A_1191 = vector.shape_cast %dot_general3A_1185 : vector<128x1024xf32> to vector<1x128x1024xf32>
    tpu.vector_store %arg3[%swap3A_1186, %swap3A_1187, %swap3A_1188], %swap3A_1191 {strides = array<i32>} : memref<32x128x1024xf32, #tpu.memory_space<vmem>>, vector<1x128x1024xf32>,
    %get3A_1192 = arith.constant 20 : index
    %get3A_1193 = arith.constant 0 : index
    %get3A_1194 = arith.constant 0 : index
    %get3A_1195 = vector.load %arg1[%get3A_1192, %get3A_1193, %get3A_1194] : memref<32x3x1024xi32, #tpu.memory_space<vmem>>, vector<1x1x1024xi32>
    %get3A_1196 = vector.shape_cast %get3A_1195 : vector<1x1x1024xi32> to vector<1024xi32>
    %convert_element_type3A_1197 = arith.sitofp %get3A_1196 : vector<1024xi32> to vector<1024xbf16>
    %broadcast_in_dim3A_1198 = vector.shape_cast %convert_element_type3A_1197 : vector<1024xbf16> to vector<1x1024xbf16>
    %sub3A_1199 = vector.broadcast %broadcast_in_dim3A_1198 : vector<1x1024xbf16> to vector<160x1024xbf16>
    %sub3A_1200 = arith.subf %convert_element_type3A, %sub3A_1199 : vector<160x1024xbf16>
    %abs3A_1201 = math.absf %sub3A_1200 : vector<160x1024xbf16>
    %sub3A_1202 = arith.constant 1.000000e+00 : bf16
    %sub3A_1203 = vector.broadcast %sub3A_1202 : bf16 to vector<160x1024xbf16>
    %sub3A_1204 = arith.subf %sub3A_1203, %abs3A_1201 : vector<160x1024xbf16>
    %max3A_1205 = arith.constant 0.000000e+00 : bf16
    %max3A_1206 = vector.broadcast %max3A_1205 : bf16 to vector<160x1024xbf16>
    %max3A_1207 = arith.maximumf %sub3A_1204, %max3A_1206 : vector<160x1024xbf16>
    %get3A_1208 = arith.constant 20 : index
    %get3A_1209 = arith.constant 1 : index
    %get3A_1210 = arith.constant 0 : index
    %get3A_1211 = vector.load %arg1[%get3A_1208, %get3A_1209, %get3A_1210] : memref<32x3x1024xi32, #tpu.memory_space<vmem>>, vector<1x1x1024xi32>
    %get3A_1212 = vector.shape_cast %get3A_1211 : vector<1x1x1024xi32> to vector<1024xi32>
    %convert_element_type3A_1213 = arith.sitofp %get3A_1212 : vector<1024xi32> to vector<1024xbf16>
    %broadcast_in_dim3A_1214 = vector.shape_cast %convert_element_type3A_1213 : vector<1024xbf16> to vector<1x1024xbf16>
    %sub3A_1215 = vector.broadcast %broadcast_in_dim3A_1214 : vector<1x1024xbf16> to vector<160x1024xbf16>
    %sub3A_1216 = arith.subf %convert_element_type3A, %sub3A_1215 : vector<160x1024xbf16>
    %abs3A_1217 = math.absf %sub3A_1216 : vector<160x1024xbf16>
    %sub3A_1218 = arith.constant 1.000000e+00 : bf16
    %sub3A_1219 = vector.broadcast %sub3A_1218 : bf16 to vector<160x1024xbf16>
    %sub3A_1220 = arith.subf %sub3A_1219, %abs3A_1217 : vector<160x1024xbf16>
    %max3A_1221 = arith.constant 0.000000e+00 : bf16
    %max3A_1222 = vector.broadcast %max3A_1221 : bf16 to vector<160x1024xbf16>
    %max3A_1223 = arith.maximumf %sub3A_1220, %max3A_1222 : vector<160x1024xbf16>
    %get3A_1224 = arith.constant 20 : index
    %get3A_1225 = arith.constant 2 : index
    %get3A_1226 = arith.constant 0 : index
    %get3A_1227 = vector.load %arg1[%get3A_1224, %get3A_1225, %get3A_1226] : memref<32x3x1024xi32, #tpu.memory_space<vmem>>, vector<1x1x1024xi32>
    %get3A_1228 = vector.shape_cast %get3A_1227 : vector<1x1x1024xi32> to vector<1024xi32>
    %convert_element_type3A_1229 = arith.sitofp %get3A_1228 : vector<1024xi32> to vector<1024xbf16>
    %broadcast_in_dim3A_1230 = vector.shape_cast %convert_element_type3A_1229 : vector<1024xbf16> to vector<1x1024xbf16>
    %sub3A_1231 = vector.broadcast %broadcast_in_dim3A_1230 : vector<1x1024xbf16> to vector<160x1024xbf16>
    %sub3A_1232 = arith.subf %convert_element_type3A, %sub3A_1231 : vector<160x1024xbf16>
    %abs3A_1233 = math.absf %sub3A_1232 : vector<160x1024xbf16>
    %sub3A_1234 = arith.constant 1.000000e+00 : bf16
    %sub3A_1235 = vector.broadcast %sub3A_1234 : bf16 to vector<160x1024xbf16>
    %sub3A_1236 = arith.subf %sub3A_1235, %abs3A_1233 : vector<160x1024xbf16>
    %max3A_1237 = arith.constant 0.000000e+00 : bf16
    %max3A_1238 = vector.broadcast %max3A_1237 : bf16 to vector<160x1024xbf16>
    %max3A_1239 = arith.maximumf %sub3A_1236, %max3A_1238 : vector<160x1024xbf16>
    %concatenate3A_1240 = tpu.concatenate %max3A_1207, %max3A_1223, %max3A_1239 in 0 : vector<160x1024xbf16>, vector<160x1024xbf16>, vector<160x1024xbf16> -> vector<480x1024xbf16>
    %get3A_1241 = arith.constant 0 : index
    %get3A_1242 = arith.constant 0 : index
    %get3A_1243 = vector.load %arg2[%get3A_1241, %get3A_1242] : memref<128x480xbf16, #tpu.memory_space<vmem>>, vector<128x480xbf16>
    %dot_general3A_1244 = arith.constant dense<0.000000e+00> : vector<128x1024xf32>
    %dot_general3A_1245 = tpu.matmul %get3A_1243, %concatenate3A_1240, %dot_general3A_1244 {dimension_numbers = #tpu.dot_dimension_numbers<[1], [0], [0], [1], [0, 0, 1, 1], [], []>, transpose_lhs_hint = false} : vector<128x480xbf16>, vector<480x1024xbf16>, vector<128x1024xf32> -> vector<128x1024xf32>
    %swap3A_1246 = arith.constant 20 : index
    %swap3A_1247 = arith.constant 0 : index
    %swap3A_1248 = arith.constant 0 : index
    %swap3A_1249 = vector.load %arg3[%swap3A_1246, %swap3A_1247, %swap3A_1248] : memref<32x128x1024xf32, #tpu.memory_space<vmem>>, vector<1x128x1024xf32>
    %swap3A_1250 = vector.shape_cast %swap3A_1249 : vector<1x128x1024xf32> to vector<128x1024xf32>
    %swap3A_1251 = vector.shape_cast %dot_general3A_1245 : vector<128x1024xf32> to vector<1x128x1024xf32>
    tpu.vector_store %arg3[%swap3A_1246, %swap3A_1247, %swap3A_1248], %swap3A_1251 {strides = array<i32>} : memref<32x128x1024xf32, #tpu.memory_space<vmem>>, vector<1x128x1024xf32>,
    %get3A_1252 = arith.constant 21 : index
    %get3A_1253 = arith.constant 0 : index
    %get3A_1254 = arith.constant 0 : index
    %get3A_1255 = vector.load %arg1[%get3A_1252, %get3A_1253, %get3A_1254] : memref<32x3x1024xi32, #tpu.memory_space<vmem>>, vector<1x1x1024xi32>
    %get3A_1256 = vector.shape_cast %get3A_1255 : vector<1x1x1024xi32> to vector<1024xi32>
    %convert_element_type3A_1257 = arith.sitofp %get3A_1256 : vector<1024xi32> to vector<1024xbf16>
    %broadcast_in_dim3A_1258 = vector.shape_cast %convert_element_type3A_1257 : vector<1024xbf16> to vector<1x1024xbf16>
    %sub3A_1259 = vector.broadcast %broadcast_in_dim3A_1258 : vector<1x1024xbf16> to vector<160x1024xbf16>
    %sub3A_1260 = arith.subf %convert_element_type3A, %sub3A_1259 : vector<160x1024xbf16>
    %abs3A_1261 = math.absf %sub3A_1260 : vector<160x1024xbf16>
    %sub3A_1262 = arith.constant 1.000000e+00 : bf16
    %sub3A_1263 = vector.broadcast %sub3A_1262 : bf16 to vector<160x1024xbf16>
    %sub3A_1264 = arith.subf %sub3A_1263, %abs3A_1261 : vector<160x1024xbf16>
    %max3A_1265 = arith.constant 0.000000e+00 : bf16
    %max3A_1266 = vector.broadcast %max3A_1265 : bf16 to vector<160x1024xbf16>
    %max3A_1267 = arith.maximumf %sub3A_1264, %max3A_1266 : vector<160x1024xbf16>
    %get3A_1268 = arith.constant 21 : index
    %get3A_1269 = arith.constant 1 : index
    %get3A_1270 = arith.constant 0 : index
    %get3A_1271 = vector.load %arg1[%get3A_1268, %get3A_1269, %get3A_1270] : memref<32x3x1024xi32, #tpu.memory_space<vmem>>, vector<1x1x1024xi32>
    %get3A_1272 = vector.shape_cast %get3A_1271 : vector<1x1x1024xi32> to vector<1024xi32>
    %convert_element_type3A_1273 = arith.sitofp %get3A_1272 : vector<1024xi32> to vector<1024xbf16>
    %broadcast_in_dim3A_1274 = vector.shape_cast %convert_element_type3A_1273 : vector<1024xbf16> to vector<1x1024xbf16>
    %sub3A_1275 = vector.broadcast %broadcast_in_dim3A_1274 : vector<1x1024xbf16> to vector<160x1024xbf16>
    %sub3A_1276 = arith.subf %convert_element_type3A, %sub3A_1275 : vector<160x1024xbf16>
    %abs3A_1277 = math.absf %sub3A_1276 : vector<160x1024xbf16>
    %sub3A_1278 = arith.constant 1.000000e+00 : bf16
    %sub3A_1279 = vector.broadcast %sub3A_1278 : bf16 to vector<160x1024xbf16>
    %sub3A_1280 = arith.subf %sub3A_1279, %abs3A_1277 : vector<160x1024xbf16>
    %max3A_1281 = arith.constant 0.000000e+00 : bf16
    %max3A_1282 = vector.broadcast %max3A_1281 : bf16 to vector<160x1024xbf16>
    %max3A_1283 = arith.maximumf %sub3A_1280, %max3A_1282 : vector<160x1024xbf16>
    %get3A_1284 = arith.constant 21 : index
    %get3A_1285 = arith.constant 2 : index
    %get3A_1286 = arith.constant 0 : index
    %get3A_1287 = vector.load %arg1[%get3A_1284, %get3A_1285, %get3A_1286] : memref<32x3x1024xi32, #tpu.memory_space<vmem>>, vector<1x1x1024xi32>
    %get3A_1288 = vector.shape_cast %get3A_1287 : vector<1x1x1024xi32> to vector<1024xi32>
    %convert_element_type3A_1289 = arith.sitofp %get3A_1288 : vector<1024xi32> to vector<1024xbf16>
    %broadcast_in_dim3A_1290 = vector.shape_cast %convert_element_type3A_1289 : vector<1024xbf16> to vector<1x1024xbf16>
    %sub3A_1291 = vector.broadcast %broadcast_in_dim3A_1290 : vector<1x1024xbf16> to vector<160x1024xbf16>
    %sub3A_1292 = arith.subf %convert_element_type3A, %sub3A_1291 : vector<160x1024xbf16>
    %abs3A_1293 = math.absf %sub3A_1292 : vector<160x1024xbf16>
    %sub3A_1294 = arith.constant 1.000000e+00 : bf16
    %sub3A_1295 = vector.broadcast %sub3A_1294 : bf16 to vector<160x1024xbf16>
    %sub3A_1296 = arith.subf %sub3A_1295, %abs3A_1293 : vector<160x1024xbf16>
    %max3A_1297 = arith.constant 0.000000e+00 : bf16
    %max3A_1298 = vector.broadcast %max3A_1297 : bf16 to vector<160x1024xbf16>
    %max3A_1299 = arith.maximumf %sub3A_1296, %max3A_1298 : vector<160x1024xbf16>
    %concatenate3A_1300 = tpu.concatenate %max3A_1267, %max3A_1283, %max3A_1299 in 0 : vector<160x1024xbf16>, vector<160x1024xbf16>, vector<160x1024xbf16> -> vector<480x1024xbf16>
    %get3A_1301 = arith.constant 0 : index
    %get3A_1302 = arith.constant 0 : index
    %get3A_1303 = vector.load %arg2[%get3A_1301, %get3A_1302] : memref<128x480xbf16, #tpu.memory_space<vmem>>, vector<128x480xbf16>
    %dot_general3A_1304 = arith.constant dense<0.000000e+00> : vector<128x1024xf32>
    %dot_general3A_1305 = tpu.matmul %get3A_1303, %concatenate3A_1300, %dot_general3A_1304 {dimension_numbers = #tpu.dot_dimension_numbers<[1], [0], [0], [1], [0, 0, 1, 1], [], []>, transpose_lhs_hint = false} : vector<128x480xbf16>, vector<480x1024xbf16>, vector<128x1024xf32> -> vector<128x1024xf32>
    %swap3A_1306 = arith.constant 21 : index
    %swap3A_1307 = arith.constant 0 : index
    %swap3A_1308 = arith.constant 0 : index
    %swap3A_1309 = vector.load %arg3[%swap3A_1306, %swap3A_1307, %swap3A_1308] : memref<32x128x1024xf32, #tpu.memory_space<vmem>>, vector<1x128x1024xf32>
    %swap3A_1310 = vector.shape_cast %swap3A_1309 : vector<1x128x1024xf32> to vector<128x1024xf32>
    %swap3A_1311 = vector.shape_cast %dot_general3A_1305 : vector<128x1024xf32> to vector<1x128x1024xf32>
    tpu.vector_store %arg3[%swap3A_1306, %swap3A_1307, %swap3A_1308], %swap3A_1311 {strides = array<i32>} : memref<32x128x1024xf32, #tpu.memory_space<vmem>>, vector<1x128x1024xf32>,
    %get3A_1312 = arith.constant 22 : index
    %get3A_1313 = arith.constant 0 : index
    %get3A_1314 = arith.constant 0 : index
    %get3A_1315 = vector.load %arg1[%get3A_1312, %get3A_1313, %get3A_1314] : memref<32x3x1024xi32, #tpu.memory_space<vmem>>, vector<1x1x1024xi32>
    %get3A_1316 = vector.shape_cast %get3A_1315 : vector<1x1x1024xi32> to vector<1024xi32>
    %convert_element_type3A_1317 = arith.sitofp %get3A_1316 : vector<1024xi32> to vector<1024xbf16>
    %broadcast_in_dim3A_1318 = vector.shape_cast %convert_element_type3A_1317 : vector<1024xbf16> to vector<1x1024xbf16>
    %sub3A_1319 = vector.broadcast %broadcast_in_dim3A_1318 : vector<1x1024xbf16> to vector<160x1024xbf16>
    %sub3A_1320 = arith.subf %convert_element_type3A, %sub3A_1319 : vector<160x1024xbf16>
    %abs3A_1321 = math.absf %sub3A_1320 : vector<160x1024xbf16>
    %sub3A_1322 = arith.constant 1.000000e+00 : bf16
    %sub3A_1323 = vector.broadcast %sub3A_1322 : bf16 to vector<160x1024xbf16>
    %sub3A_1324 = arith.subf %sub3A_1323, %abs3A_1321 : vector<160x1024xbf16>
    %max3A_1325 = arith.constant 0.000000e+00 : bf16
    %max3A_1326 = vector.broadcast %max3A_1325 : bf16 to vector<160x1024xbf16>
    %max3A_1327 = arith.maximumf %sub3A_1324, %max3A_1326 : vector<160x1024xbf16>
    %get3A_1328 = arith.constant 22 : index
    %get3A_1329 = arith.constant 1 : index
    %get3A_1330 = arith.constant 0 : index
    %get3A_1331 = vector.load %arg1[%get3A_1328, %get3A_1329, %get3A_1330] : memref<32x3x1024xi32, #tpu.memory_space<vmem>>, vector<1x1x1024xi32>
    %get3A_1332 = vector.shape_cast %get3A_1331 : vector<1x1x1024xi32> to vector<1024xi32>
    %convert_element_type3A_1333 = arith.sitofp %get3A_1332 : vector<1024xi32> to vector<1024xbf16>
    %broadcast_in_dim3A_1334 = vector.shape_cast %convert_element_type3A_1333 : vector<1024xbf16> to vector<1x1024xbf16>
    %sub3A_1335 = vector.broadcast %broadcast_in_dim3A_1334 : vector<1x1024xbf16> to vector<160x1024xbf16>
    %sub3A_1336 = arith.subf %convert_element_type3A, %sub3A_1335 : vector<160x1024xbf16>
    %abs3A_1337 = math.absf %sub3A_1336 : vector<160x1024xbf16>
    %sub3A_1338 = arith.constant 1.000000e+00 : bf16
    %sub3A_1339 = vector.broadcast %sub3A_1338 : bf16 to vector<160x1024xbf16>
    %sub3A_1340 = arith.subf %sub3A_1339, %abs3A_1337 : vector<160x1024xbf16>
    %max3A_1341 = arith.constant 0.000000e+00 : bf16
    %max3A_1342 = vector.broadcast %max3A_1341 : bf16 to vector<160x1024xbf16>
    %max3A_1343 = arith.maximumf %sub3A_1340, %max3A_1342 : vector<160x1024xbf16>
    %get3A_1344 = arith.constant 22 : index
    %get3A_1345 = arith.constant 2 : index
    %get3A_1346 = arith.constant 0 : index
    %get3A_1347 = vector.load %arg1[%get3A_1344, %get3A_1345, %get3A_1346] : memref<32x3x1024xi32, #tpu.memory_space<vmem>>, vector<1x1x1024xi32>
    %get3A_1348 = vector.shape_cast %get3A_1347 : vector<1x1x1024xi32> to vector<1024xi32>
    %convert_element_type3A_1349 = arith.sitofp %get3A_1348 : vector<1024xi32> to vector<1024xbf16>
    %broadcast_in_dim3A_1350 = vector.shape_cast %convert_element_type3A_1349 : vector<1024xbf16> to vector<1x1024xbf16>
    %sub3A_1351 = vector.broadcast %broadcast_in_dim3A_1350 : vector<1x1024xbf16> to vector<160x1024xbf16>
    %sub3A_1352 = arith.subf %convert_element_type3A, %sub3A_1351 : vector<160x1024xbf16>
    %abs3A_1353 = math.absf %sub3A_1352 : vector<160x1024xbf16>
    %sub3A_1354 = arith.constant 1.000000e+00 : bf16
    %sub3A_1355 = vector.broadcast %sub3A_1354 : bf16 to vector<160x1024xbf16>
    %sub3A_1356 = arith.subf %sub3A_1355, %abs3A_1353 : vector<160x1024xbf16>
    %max3A_1357 = arith.constant 0.000000e+00 : bf16
    %max3A_1358 = vector.broadcast %max3A_1357 : bf16 to vector<160x1024xbf16>
    %max3A_1359 = arith.maximumf %sub3A_1356, %max3A_1358 : vector<160x1024xbf16>
    %concatenate3A_1360 = tpu.concatenate %max3A_1327, %max3A_1343, %max3A_1359 in 0 : vector<160x1024xbf16>, vector<160x1024xbf16>, vector<160x1024xbf16> -> vector<480x1024xbf16>
    %get3A_1361 = arith.constant 0 : index
    %get3A_1362 = arith.constant 0 : index
    %get3A_1363 = vector.load %arg2[%get3A_1361, %get3A_1362] : memref<128x480xbf16, #tpu.memory_space<vmem>>, vector<128x480xbf16>
    %dot_general3A_1364 = arith.constant dense<0.000000e+00> : vector<128x1024xf32>
    %dot_general3A_1365 = tpu.matmul %get3A_1363, %concatenate3A_1360, %dot_general3A_1364 {dimension_numbers = #tpu.dot_dimension_numbers<[1], [0], [0], [1], [0, 0, 1, 1], [], []>, transpose_lhs_hint = false} : vector<128x480xbf16>, vector<480x1024xbf16>, vector<128x1024xf32> -> vector<128x1024xf32>
    %swap3A_1366 = arith.constant 22 : index
    %swap3A_1367 = arith.constant 0 : index
    %swap3A_1368 = arith.constant 0 : index
    %swap3A_1369 = vector.load %arg3[%swap3A_1366, %swap3A_1367, %swap3A_1368] : memref<32x128x1024xf32, #tpu.memory_space<vmem>>, vector<1x128x1024xf32>
    %swap3A_1370 = vector.shape_cast %swap3A_1369 : vector<1x128x1024xf32> to vector<128x1024xf32>
    %swap3A_1371 = vector.shape_cast %dot_general3A_1365 : vector<128x1024xf32> to vector<1x128x1024xf32>
    tpu.vector_store %arg3[%swap3A_1366, %swap3A_1367, %swap3A_1368], %swap3A_1371 {strides = array<i32>} : memref<32x128x1024xf32, #tpu.memory_space<vmem>>, vector<1x128x1024xf32>,
    %get3A_1372 = arith.constant 23 : index
    %get3A_1373 = arith.constant 0 : index
    %get3A_1374 = arith.constant 0 : index
    %get3A_1375 = vector.load %arg1[%get3A_1372, %get3A_1373, %get3A_1374] : memref<32x3x1024xi32, #tpu.memory_space<vmem>>, vector<1x1x1024xi32>
    %get3A_1376 = vector.shape_cast %get3A_1375 : vector<1x1x1024xi32> to vector<1024xi32>
    %convert_element_type3A_1377 = arith.sitofp %get3A_1376 : vector<1024xi32> to vector<1024xbf16>
    %broadcast_in_dim3A_1378 = vector.shape_cast %convert_element_type3A_1377 : vector<1024xbf16> to vector<1x1024xbf16>
    %sub3A_1379 = vector.broadcast %broadcast_in_dim3A_1378 : vector<1x1024xbf16> to vector<160x1024xbf16>
    %sub3A_1380 = arith.subf %convert_element_type3A, %sub3A_1379 : vector<160x1024xbf16>
    %abs3A_1381 = math.absf %sub3A_1380 : vector<160x1024xbf16>
    %sub3A_1382 = arith.constant 1.000000e+00 : bf16
    %sub3A_1383 = vector.broadcast %sub3A_1382 : bf16 to vector<160x1024xbf16>
    %sub3A_1384 = arith.subf %sub3A_1383, %abs3A_1381 : vector<160x1024xbf16>
    %max3A_1385 = arith.constant 0.000000e+00 : bf16
    %max3A_1386 = vector.broadcast %max3A_1385 : bf16 to vector<160x1024xbf16>
    %max3A_1387 = arith.maximumf %sub3A_1384, %max3A_1386 : vector<160x1024xbf16>
    %get3A_1388 = arith.constant 23 : index
    %get3A_1389 = arith.constant 1 : index
    %get3A_1390 = arith.constant 0 : index
    %get3A_1391 = vector.load %arg1[%get3A_1388, %get3A_1389, %get3A_1390] : memref<32x3x1024xi32, #tpu.memory_space<vmem>>, vector<1x1x1024xi32>
    %get3A_1392 = vector.shape_cast %get3A_1391 : vector<1x1x1024xi32> to vector<1024xi32>
    %convert_element_type3A_1393 = arith.sitofp %get3A_1392 : vector<1024xi32> to vector<1024xbf16>
    %broadcast_in_dim3A_1394 = vector.shape_cast %convert_element_type3A_1393 : vector<1024xbf16> to vector<1x1024xbf16>
    %sub3A_1395 = vector.broadcast %broadcast_in_dim3A_1394 : vector<1x1024xbf16> to vector<160x1024xbf16>
    %sub3A_1396 = arith.subf %convert_element_type3A, %sub3A_1395 : vector<160x1024xbf16>
    %abs3A_1397 = math.absf %sub3A_1396 : vector<160x1024xbf16>
    %sub3A_1398 = arith.constant 1.000000e+00 : bf16
    %sub3A_1399 = vector.broadcast %sub3A_1398 : bf16 to vector<160x1024xbf16>
    %sub3A_1400 = arith.subf %sub3A_1399, %abs3A_1397 : vector<160x1024xbf16>
    %max3A_1401 = arith.constant 0.000000e+00 : bf16
    %max3A_1402 = vector.broadcast %max3A_1401 : bf16 to vector<160x1024xbf16>
    %max3A_1403 = arith.maximumf %sub3A_1400, %max3A_1402 : vector<160x1024xbf16>
    %get3A_1404 = arith.constant 23 : index
    %get3A_1405 = arith.constant 2 : index
    %get3A_1406 = arith.constant 0 : index
    %get3A_1407 = vector.load %arg1[%get3A_1404, %get3A_1405, %get3A_1406] : memref<32x3x1024xi32, #tpu.memory_space<vmem>>, vector<1x1x1024xi32>
    %get3A_1408 = vector.shape_cast %get3A_1407 : vector<1x1x1024xi32> to vector<1024xi32>
    %convert_element_type3A_1409 = arith.sitofp %get3A_1408 : vector<1024xi32> to vector<1024xbf16>
    %broadcast_in_dim3A_1410 = vector.shape_cast %convert_element_type3A_1409 : vector<1024xbf16> to vector<1x1024xbf16>
    %sub3A_1411 = vector.broadcast %broadcast_in_dim3A_1410 : vector<1x1024xbf16> to vector<160x1024xbf16>
    %sub3A_1412 = arith.subf %convert_element_type3A, %sub3A_1411 : vector<160x1024xbf16>
    %abs3A_1413 = math.absf %sub3A_1412 : vector<160x1024xbf16>
    %sub3A_1414 = arith.constant 1.000000e+00 : bf16
    %sub3A_1415 = vector.broadcast %sub3A_1414 : bf16 to vector<160x1024xbf16>
    %sub3A_1416 = arith.subf %sub3A_1415, %abs3A_1413 : vector<160x1024xbf16>
    %max3A_1417 = arith.constant 0.000000e+00 : bf16
    %max3A_1418 = vector.broadcast %max3A_1417 : bf16 to vector<160x1024xbf16>
    %max3A_1419 = arith.maximumf %sub3A_1416, %max3A_1418 : vector<160x1024xbf16>
    %concatenate3A_1420 = tpu.concatenate %max3A_1387, %max3A_1403, %max3A_1419 in 0 : vector<160x1024xbf16>, vector<160x1024xbf16>, vector<160x1024xbf16> -> vector<480x1024xbf16>
    %get3A_1421 = arith.constant 0 : index
    %get3A_1422 = arith.constant 0 : index
    %get3A_1423 = vector.load %arg2[%get3A_1421, %get3A_1422] : memref<128x480xbf16, #tpu.memory_space<vmem>>, vector<128x480xbf16>
    %dot_general3A_1424 = arith.constant dense<0.000000e+00> : vector<128x1024xf32>
    %dot_general3A_1425 = tpu.matmul %get3A_1423, %concatenate3A_1420, %dot_general3A_1424 {dimension_numbers = #tpu.dot_dimension_numbers<[1], [0], [0], [1], [0, 0, 1, 1], [], []>, transpose_lhs_hint = false} : vector<128x480xbf16>, vector<480x1024xbf16>, vector<128x1024xf32> -> vector<128x1024xf32>
    %swap3A_1426 = arith.constant 23 : index
    %swap3A_1427 = arith.constant 0 : index
    %swap3A_1428 = arith.constant 0 : index
    %swap3A_1429 = vector.load %arg3[%swap3A_1426, %swap3A_1427, %swap3A_1428] : memref<32x128x1024xf32, #tpu.memory_space<vmem>>, vector<1x128x1024xf32>
    %swap3A_1430 = vector.shape_cast %swap3A_1429 : vector<1x128x1024xf32> to vector<128x1024xf32>
    %swap3A_1431 = vector.shape_cast %dot_general3A_1425 : vector<128x1024xf32> to vector<1x128x1024xf32>
    tpu.vector_store %arg3[%swap3A_1426, %swap3A_1427, %swap3A_1428], %swap3A_1431 {strides = array<i32>} : memref<32x128x1024xf32, #tpu.memory_space<vmem>>, vector<1x128x1024xf32>,
    %get3A_1432 = arith.constant 24 : index
    %get3A_1433 = arith.constant 0 : index
    %get3A_1434 = arith.constant 0 : index
    %get3A_1435 = vector.load %arg1[%get3A_1432, %get3A_1433, %get3A_1434] : memref<32x3x1024xi32, #tpu.memory_space<vmem>>, vector<1x1x1024xi32>
    %get3A_1436 = vector.shape_cast %get3A_1435 : vector<1x1x1024xi32> to vector<1024xi32>
    %convert_element_type3A_1437 = arith.sitofp %get3A_1436 : vector<1024xi32> to vector<1024xbf16>
    %broadcast_in_dim3A_1438 = vector.shape_cast %convert_element_type3A_1437 : vector<1024xbf16> to vector<1x1024xbf16>
    %sub3A_1439 = vector.broadcast %broadcast_in_dim3A_1438 : vector<1x1024xbf16> to vector<160x1024xbf16>
    %sub3A_1440 = arith.subf %convert_element_type3A, %sub3A_1439 : vector<160x1024xbf16>
    %abs3A_1441 = math.absf %sub3A_1440 : vector<160x1024xbf16>
    %sub3A_1442 = arith.constant 1.000000e+00 : bf16
    %sub3A_1443 = vector.broadcast %sub3A_1442 : bf16 to vector<160x1024xbf16>
    %sub3A_1444 = arith.subf %sub3A_1443, %abs3A_1441 : vector<160x1024xbf16>
    %max3A_1445 = arith.constant 0.000000e+00 : bf16
    %max3A_1446 = vector.broadcast %max3A_1445 : bf16 to vector<160x1024xbf16>
    %max3A_1447 = arith.maximumf %sub3A_1444, %max3A_1446 : vector<160x1024xbf16>
    %get3A_1448 = arith.constant 24 : index
    %get3A_1449 = arith.constant 1 : index
    %get3A_1450 = arith.constant 0 : index
    %get3A_1451 = vector.load %arg1[%get3A_1448, %get3A_1449, %get3A_1450] : memref<32x3x1024xi32, #tpu.memory_space<vmem>>, vector<1x1x1024xi32>
    %get3A_1452 = vector.shape_cast %get3A_1451 : vector<1x1x1024xi32> to vector<1024xi32>
    %convert_element_type3A_1453 = arith.sitofp %get3A_1452 : vector<1024xi32> to vector<1024xbf16>
    %broadcast_in_dim3A_1454 = vector.shape_cast %convert_element_type3A_1453 : vector<1024xbf16> to vector<1x1024xbf16>
    %sub3A_1455 = vector.broadcast %broadcast_in_dim3A_1454 : vector<1x1024xbf16> to vector<160x1024xbf16>
    %sub3A_1456 = arith.subf %convert_element_type3A, %sub3A_1455 : vector<160x1024xbf16>
    %abs3A_1457 = math.absf %sub3A_1456 : vector<160x1024xbf16>
    %sub3A_1458 = arith.constant 1.000000e+00 : bf16
    %sub3A_1459 = vector.broadcast %sub3A_1458 : bf16 to vector<160x1024xbf16>
    %sub3A_1460 = arith.subf %sub3A_1459, %abs3A_1457 : vector<160x1024xbf16>
    %max3A_1461 = arith.constant 0.000000e+00 : bf16
    %max3A_1462 = vector.broadcast %max3A_1461 : bf16 to vector<160x1024xbf16>
    %max3A_1463 = arith.maximumf %sub3A_1460, %max3A_1462 : vector<160x1024xbf16>
    %get3A_1464 = arith.constant 24 : index
    %get3A_1465 = arith.constant 2 : index
    %get3A_1466 = arith.constant 0 : index
    %get3A_1467 = vector.load %arg1[%get3A_1464, %get3A_1465, %get3A_1466] : memref<32x3x1024xi32, #tpu.memory_space<vmem>>, vector<1x1x1024xi32>
    %get3A_1468 = vector.shape_cast %get3A_1467 : vector<1x1x1024xi32> to vector<1024xi32>
    %convert_element_type3A_1469 = arith.sitofp %get3A_1468 : vector<1024xi32> to vector<1024xbf16>
    %broadcast_in_dim3A_1470 = vector.shape_cast %convert_element_type3A_1469 : vector<1024xbf16> to vector<1x1024xbf16>
    %sub3A_1471 = vector.broadcast %broadcast_in_dim3A_1470 : vector<1x1024xbf16> to vector<160x1024xbf16>
    %sub3A_1472 = arith.subf %convert_element_type3A, %sub3A_1471 : vector<160x1024xbf16>
    %abs3A_1473 = math.absf %sub3A_1472 : vector<160x1024xbf16>
    %sub3A_1474 = arith.constant 1.000000e+00 : bf16
    %sub3A_1475 = vector.broadcast %sub3A_1474 : bf16 to vector<160x1024xbf16>
    %sub3A_1476 = arith.subf %sub3A_1475, %abs3A_1473 : vector<160x1024xbf16>
    %max3A_1477 = arith.constant 0.000000e+00 : bf16
    %max3A_1478 = vector.broadcast %max3A_1477 : bf16 to vector<160x1024xbf16>
    %max3A_1479 = arith.maximumf %sub3A_1476, %max3A_1478 : vector<160x1024xbf16>
    %concatenate3A_1480 = tpu.concatenate %max3A_1447, %max3A_1463, %max3A_1479 in 0 : vector<160x1024xbf16>, vector<160x1024xbf16>, vector<160x1024xbf16> -> vector<480x1024xbf16>
    %get3A_1481 = arith.constant 0 : index
    %get3A_1482 = arith.constant 0 : index
    %get3A_1483 = vector.load %arg2[%get3A_1481, %get3A_1482] : memref<128x480xbf16, #tpu.memory_space<vmem>>, vector<128x480xbf16>
    %dot_general3A_1484 = arith.constant dense<0.000000e+00> : vector<128x1024xf32>
    %dot_general3A_1485 = tpu.matmul %get3A_1483, %concatenate3A_1480, %dot_general3A_1484 {dimension_numbers = #tpu.dot_dimension_numbers<[1], [0], [0], [1], [0, 0, 1, 1], [], []>, transpose_lhs_hint = false} : vector<128x480xbf16>, vector<480x1024xbf16>, vector<128x1024xf32> -> vector<128x1024xf32>
    %swap3A_1486 = arith.constant 24 : index
    %swap3A_1487 = arith.constant 0 : index
    %swap3A_1488 = arith.constant 0 : index
    %swap3A_1489 = vector.load %arg3[%swap3A_1486, %swap3A_1487, %swap3A_1488] : memref<32x128x1024xf32, #tpu.memory_space<vmem>>, vector<1x128x1024xf32>
    %swap3A_1490 = vector.shape_cast %swap3A_1489 : vector<1x128x1024xf32> to vector<128x1024xf32>
    %swap3A_1491 = vector.shape_cast %dot_general3A_1485 : vector<128x1024xf32> to vector<1x128x1024xf32>
    tpu.vector_store %arg3[%swap3A_1486, %swap3A_1487, %swap3A_1488], %swap3A_1491 {strides = array<i32>} : memref<32x128x1024xf32, #tpu.memory_space<vmem>>, vector<1x128x1024xf32>,
    %get3A_1492 = arith.constant 25 : index
    %get3A_1493 = arith.constant 0 : index
    %get3A_1494 = arith.constant 0 : index
    %get3A_1495 = vector.load %arg1[%get3A_1492, %get3A_1493, %get3A_1494] : memref<32x3x1024xi32, #tpu.memory_space<vmem>>, vector<1x1x1024xi32>
    %get3A_1496 = vector.shape_cast %get3A_1495 : vector<1x1x1024xi32> to vector<1024xi32>
    %convert_element_type3A_1497 = arith.sitofp %get3A_1496 : vector<1024xi32> to vector<1024xbf16>
    %broadcast_in_dim3A_1498 = vector.shape_cast %convert_element_type3A_1497 : vector<1024xbf16> to vector<1x1024xbf16>
    %sub3A_1499 = vector.broadcast %broadcast_in_dim3A_1498 : vector<1x1024xbf16> to vector<160x1024xbf16>
    %sub3A_1500 = arith.subf %convert_element_type3A, %sub3A_1499 : vector<160x1024xbf16>
    %abs3A_1501 = math.absf %sub3A_1500 : vector<160x1024xbf16>
    %sub3A_1502 = arith.constant 1.000000e+00 : bf16
    %sub3A_1503 = vector.broadcast %sub3A_1502 : bf16 to vector<160x1024xbf16>
    %sub3A_1504 = arith.subf %sub3A_1503, %abs3A_1501 : vector<160x1024xbf16>
    %max3A_1505 = arith.constant 0.000000e+00 : bf16
    %max3A_1506 = vector.broadcast %max3A_1505 : bf16 to vector<160x1024xbf16>
    %max3A_1507 = arith.maximumf %sub3A_1504, %max3A_1506 : vector<160x1024xbf16>
    %get3A_1508 = arith.constant 25 : index
    %get3A_1509 = arith.constant 1 : index
    %get3A_1510 = arith.constant 0 : index
    %get3A_1511 = vector.load %arg1[%get3A_1508, %get3A_1509, %get3A_1510] : memref<32x3x1024xi32, #tpu.memory_space<vmem>>, vector<1x1x1024xi32>
    %get3A_1512 = vector.shape_cast %get3A_1511 : vector<1x1x1024xi32> to vector<1024xi32>
    %convert_element_type3A_1513 = arith.sitofp %get3A_1512 : vector<1024xi32> to vector<1024xbf16>
    %broadcast_in_dim3A_1514 = vector.shape_cast %convert_element_type3A_1513 : vector<1024xbf16> to vector<1x1024xbf16>
    %sub3A_1515 = vector.broadcast %broadcast_in_dim3A_1514 : vector<1x1024xbf16> to vector<160x1024xbf16>
    %sub3A_1516 = arith.subf %convert_element_type3A, %sub3A_1515 : vector<160x1024xbf16>
    %abs3A_1517 = math.absf %sub3A_1516 : vector<160x1024xbf16>
    %sub3A_1518 = arith.constant 1.000000e+00 : bf16
    %sub3A_1519 = vector.broadcast %sub3A_1518 : bf16 to vector<160x1024xbf16>
    %sub3A_1520 = arith.subf %sub3A_1519, %abs3A_1517 : vector<160x1024xbf16>
    %max3A_1521 = arith.constant 0.000000e+00 : bf16
    %max3A_1522 = vector.broadcast %max3A_1521 : bf16 to vector<160x1024xbf16>
    %max3A_1523 = arith.maximumf %sub3A_1520, %max3A_1522 : vector<160x1024xbf16>
    %get3A_1524 = arith.constant 25 : index
    %get3A_1525 = arith.constant 2 : index
    %get3A_1526 = arith.constant 0 : index
    %get3A_1527 = vector.load %arg1[%get3A_1524, %get3A_1525, %get3A_1526] : memref<32x3x1024xi32, #tpu.memory_space<vmem>>, vector<1x1x1024xi32>
    %get3A_1528 = vector.shape_cast %get3A_1527 : vector<1x1x1024xi32> to vector<1024xi32>
    %convert_element_type3A_1529 = arith.sitofp %get3A_1528 : vector<1024xi32> to vector<1024xbf16>
    %broadcast_in_dim3A_1530 = vector.shape_cast %convert_element_type3A_1529 : vector<1024xbf16> to vector<1x1024xbf16>
    %sub3A_1531 = vector.broadcast %broadcast_in_dim3A_1530 : vector<1x1024xbf16> to vector<160x1024xbf16>
    %sub3A_1532 = arith.subf %convert_element_type3A, %sub3A_1531 : vector<160x1024xbf16>
    %abs3A_1533 = math.absf %sub3A_1532 : vector<160x1024xbf16>
    %sub3A_1534 = arith.constant 1.000000e+00 : bf16
    %sub3A_1535 = vector.broadcast %sub3A_1534 : bf16 to vector<160x1024xbf16>
    %sub3A_1536 = arith.subf %sub3A_1535, %abs3A_1533 : vector<160x1024xbf16>
    %max3A_1537 = arith.constant 0.000000e+00 : bf16
    %max3A_1538 = vector.broadcast %max3A_1537 : bf16 to vector<160x1024xbf16>
    %max3A_1539 = arith.maximumf %sub3A_1536, %max3A_1538 : vector<160x1024xbf16>
    %concatenate3A_1540 = tpu.concatenate %max3A_1507, %max3A_1523, %max3A_1539 in 0 : vector<160x1024xbf16>, vector<160x1024xbf16>, vector<160x1024xbf16> -> vector<480x1024xbf16>
    %get3A_1541 = arith.constant 0 : index
    %get3A_1542 = arith.constant 0 : index
    %get3A_1543 = vector.load %arg2[%get3A_1541, %get3A_1542] : memref<128x480xbf16, #tpu.memory_space<vmem>>, vector<128x480xbf16>
    %dot_general3A_1544 = arith.constant dense<0.000000e+00> : vector<128x1024xf32>
    %dot_general3A_1545 = tpu.matmul %get3A_1543, %concatenate3A_1540, %dot_general3A_1544 {dimension_numbers = #tpu.dot_dimension_numbers<[1], [0], [0], [1], [0, 0, 1, 1], [], []>, transpose_lhs_hint = false} : vector<128x480xbf16>, vector<480x1024xbf16>, vector<128x1024xf32> -> vector<128x1024xf32>
    %swap3A_1546 = arith.constant 25 : index
    %swap3A_1547 = arith.constant 0 : index
    %swap3A_1548 = arith.constant 0 : index
    %swap3A_1549 = vector.load %arg3[%swap3A_1546, %swap3A_1547, %swap3A_1548] : memref<32x128x1024xf32, #tpu.memory_space<vmem>>, vector<1x128x1024xf32>
    %swap3A_1550 = vector.shape_cast %swap3A_1549 : vector<1x128x1024xf32> to vector<128x1024xf32>
    %swap3A_1551 = vector.shape_cast %dot_general3A_1545 : vector<128x1024xf32> to vector<1x128x1024xf32>
    tpu.vector_store %arg3[%swap3A_1546, %swap3A_1547, %swap3A_1548], %swap3A_1551 {strides = array<i32>} : memref<32x128x1024xf32, #tpu.memory_space<vmem>>, vector<1x128x1024xf32>,
    %get3A_1552 = arith.constant 26 : index
    %get3A_1553 = arith.constant 0 : index
    %get3A_1554 = arith.constant 0 : index
    %get3A_1555 = vector.load %arg1[%get3A_1552, %get3A_1553, %get3A_1554] : memref<32x3x1024xi32, #tpu.memory_space<vmem>>, vector<1x1x1024xi32>
    %get3A_1556 = vector.shape_cast %get3A_1555 : vector<1x1x1024xi32> to vector<1024xi32>
    %convert_element_type3A_1557 = arith.sitofp %get3A_1556 : vector<1024xi32> to vector<1024xbf16>
    %broadcast_in_dim3A_1558 = vector.shape_cast %convert_element_type3A_1557 : vector<1024xbf16> to vector<1x1024xbf16>
    %sub3A_1559 = vector.broadcast %broadcast_in_dim3A_1558 : vector<1x1024xbf16> to vector<160x1024xbf16>
    %sub3A_1560 = arith.subf %convert_element_type3A, %sub3A_1559 : vector<160x1024xbf16>
    %abs3A_1561 = math.absf %sub3A_1560 : vector<160x1024xbf16>
    %sub3A_1562 = arith.constant 1.000000e+00 : bf16
    %sub3A_1563 = vector.broadcast %sub3A_1562 : bf16 to vector<160x1024xbf16>
    %sub3A_1564 = arith.subf %sub3A_1563, %abs3A_1561 : vector<160x1024xbf16>
    %max3A_1565 = arith.constant 0.000000e+00 : bf16
    %max3A_1566 = vector.broadcast %max3A_1565 : bf16 to vector<160x1024xbf16>
    %max3A_1567 = arith.maximumf %sub3A_1564, %max3A_1566 : vector<160x1024xbf16>
    %get3A_1568 = arith.constant 26 : index
    %get3A_1569 = arith.constant 1 : index
    %get3A_1570 = arith.constant 0 : index
    %get3A_1571 = vector.load %arg1[%get3A_1568, %get3A_1569, %get3A_1570] : memref<32x3x1024xi32, #tpu.memory_space<vmem>>, vector<1x1x1024xi32>
    %get3A_1572 = vector.shape_cast %get3A_1571 : vector<1x1x1024xi32> to vector<1024xi32>
    %convert_element_type3A_1573 = arith.sitofp %get3A_1572 : vector<1024xi32> to vector<1024xbf16>
    %broadcast_in_dim3A_1574 = vector.shape_cast %convert_element_type3A_1573 : vector<1024xbf16> to vector<1x1024xbf16>
    %sub3A_1575 = vector.broadcast %broadcast_in_dim3A_1574 : vector<1x1024xbf16> to vector<160x1024xbf16>
    %sub3A_1576 = arith.subf %convert_element_type3A, %sub3A_1575 : vector<160x1024xbf16>
    %abs3A_1577 = math.absf %sub3A_1576 : vector<160x1024xbf16>
    %sub3A_1578 = arith.constant 1.000000e+00 : bf16
    %sub3A_1579 = vector.broadcast %sub3A_1578 : bf16 to vector<160x1024xbf16>
    %sub3A_1580 = arith.subf %sub3A_1579, %abs3A_1577 : vector<160x1024xbf16>
    %max3A_1581 = arith.constant 0.000000e+00 : bf16
    %max3A_1582 = vector.broadcast %max3A_1581 : bf16 to vector<160x1024xbf16>
    %max3A_1583 = arith.maximumf %sub3A_1580, %max3A_1582 : vector<160x1024xbf16>
    %get3A_1584 = arith.constant 26 : index
    %get3A_1585 = arith.constant 2 : index
    %get3A_1586 = arith.constant 0 : index
    %get3A_1587 = vector.load %arg1[%get3A_1584, %get3A_1585, %get3A_1586] : memref<32x3x1024xi32, #tpu.memory_space<vmem>>, vector<1x1x1024xi32>
    %get3A_1588 = vector.shape_cast %get3A_1587 : vector<1x1x1024xi32> to vector<1024xi32>
    %convert_element_type3A_1589 = arith.sitofp %get3A_1588 : vector<1024xi32> to vector<1024xbf16>
    %broadcast_in_dim3A_1590 = vector.shape_cast %convert_element_type3A_1589 : vector<1024xbf16> to vector<1x1024xbf16>
    %sub3A_1591 = vector.broadcast %broadcast_in_dim3A_1590 : vector<1x1024xbf16> to vector<160x1024xbf16>
    %sub3A_1592 = arith.subf %convert_element_type3A, %sub3A_1591 : vector<160x1024xbf16>
    %abs3A_1593 = math.absf %sub3A_1592 : vector<160x1024xbf16>
    %sub3A_1594 = arith.constant 1.000000e+00 : bf16
    %sub3A_1595 = vector.broadcast %sub3A_1594 : bf16 to vector<160x1024xbf16>
    %sub3A_1596 = arith.subf %sub3A_1595, %abs3A_1593 : vector<160x1024xbf16>
    %max3A_1597 = arith.constant 0.000000e+00 : bf16
    %max3A_1598 = vector.broadcast %max3A_1597 : bf16 to vector<160x1024xbf16>
    %max3A_1599 = arith.maximumf %sub3A_1596, %max3A_1598 : vector<160x1024xbf16>
    %concatenate3A_1600 = tpu.concatenate %max3A_1567, %max3A_1583, %max3A_1599 in 0 : vector<160x1024xbf16>, vector<160x1024xbf16>, vector<160x1024xbf16> -> vector<480x1024xbf16>
    %get3A_1601 = arith.constant 0 : index
    %get3A_1602 = arith.constant 0 : index
    %get3A_1603 = vector.load %arg2[%get3A_1601, %get3A_1602] : memref<128x480xbf16, #tpu.memory_space<vmem>>, vector<128x480xbf16>
    %dot_general3A_1604 = arith.constant dense<0.000000e+00> : vector<128x1024xf32>
    %dot_general3A_1605 = tpu.matmul %get3A_1603, %concatenate3A_1600, %dot_general3A_1604 {dimension_numbers = #tpu.dot_dimension_numbers<[1], [0], [0], [1], [0, 0, 1, 1], [], []>, transpose_lhs_hint = false} : vector<128x480xbf16>, vector<480x1024xbf16>, vector<128x1024xf32> -> vector<128x1024xf32>
    %swap3A_1606 = arith.constant 26 : index
    %swap3A_1607 = arith.constant 0 : index
    %swap3A_1608 = arith.constant 0 : index
    %swap3A_1609 = vector.load %arg3[%swap3A_1606, %swap3A_1607, %swap3A_1608] : memref<32x128x1024xf32, #tpu.memory_space<vmem>>, vector<1x128x1024xf32>
    %swap3A_1610 = vector.shape_cast %swap3A_1609 : vector<1x128x1024xf32> to vector<128x1024xf32>
    %swap3A_1611 = vector.shape_cast %dot_general3A_1605 : vector<128x1024xf32> to vector<1x128x1024xf32>
    tpu.vector_store %arg3[%swap3A_1606, %swap3A_1607, %swap3A_1608], %swap3A_1611 {strides = array<i32>} : memref<32x128x1024xf32, #tpu.memory_space<vmem>>, vector<1x128x1024xf32>,
    %get3A_1612 = arith.constant 27 : index
    %get3A_1613 = arith.constant 0 : index
    %get3A_1614 = arith.constant 0 : index
    %get3A_1615 = vector.load %arg1[%get3A_1612, %get3A_1613, %get3A_1614] : memref<32x3x1024xi32, #tpu.memory_space<vmem>>, vector<1x1x1024xi32>
    %get3A_1616 = vector.shape_cast %get3A_1615 : vector<1x1x1024xi32> to vector<1024xi32>
    %convert_element_type3A_1617 = arith.sitofp %get3A_1616 : vector<1024xi32> to vector<1024xbf16>
    %broadcast_in_dim3A_1618 = vector.shape_cast %convert_element_type3A_1617 : vector<1024xbf16> to vector<1x1024xbf16>
    %sub3A_1619 = vector.broadcast %broadcast_in_dim3A_1618 : vector<1x1024xbf16> to vector<160x1024xbf16>
    %sub3A_1620 = arith.subf %convert_element_type3A, %sub3A_1619 : vector<160x1024xbf16>
    %abs3A_1621 = math.absf %sub3A_1620 : vector<160x1024xbf16>
    %sub3A_1622 = arith.constant 1.000000e+00 : bf16
    %sub3A_1623 = vector.broadcast %sub3A_1622 : bf16 to vector<160x1024xbf16>
    %sub3A_1624 = arith.subf %sub3A_1623, %abs3A_1621 : vector<160x1024xbf16>
    %max3A_1625 = arith.constant 0.000000e+00 : bf16
    %max3A_1626 = vector.broadcast %max3A_1625 : bf16 to vector<160x1024xbf16>
    %max3A_1627 = arith.maximumf %sub3A_1624, %max3A_1626 : vector<160x1024xbf16>
    %get3A_1628 = arith.constant 27 : index
    %get3A_1629 = arith.constant 1 : index
    %get3A_1630 = arith.constant 0 : index
    %get3A_1631 = vector.load %arg1[%get3A_1628, %get3A_1629, %get3A_1630] : memref<32x3x1024xi32, #tpu.memory_space<vmem>>, vector<1x1x1024xi32>
    %get3A_1632 = vector.shape_cast %get3A_1631 : vector<1x1x1024xi32> to vector<1024xi32>
    %convert_element_type3A_1633 = arith.sitofp %get3A_1632 : vector<1024xi32> to vector<1024xbf16>
    %broadcast_in_dim3A_1634 = vector.shape_cast %convert_element_type3A_1633 : vector<1024xbf16> to vector<1x1024xbf16>
    %sub3A_1635 = vector.broadcast %broadcast_in_dim3A_1634 : vector<1x1024xbf16> to vector<160x1024xbf16>
    %sub3A_1636 = arith.subf %convert_element_type3A, %sub3A_1635 : vector<160x1024xbf16>
    %abs3A_1637 = math.absf %sub3A_1636 : vector<160x1024xbf16>
    %sub3A_1638 = arith.constant 1.000000e+00 : bf16
    %sub3A_1639 = vector.broadcast %sub3A_1638 : bf16 to vector<160x1024xbf16>
    %sub3A_1640 = arith.subf %sub3A_1639, %abs3A_1637 : vector<160x1024xbf16>
    %max3A_1641 = arith.constant 0.000000e+00 : bf16
    %max3A_1642 = vector.broadcast %max3A_1641 : bf16 to vector<160x1024xbf16>
    %max3A_1643 = arith.maximumf %sub3A_1640, %max3A_1642 : vector<160x1024xbf16>
    %get3A_1644 = arith.constant 27 : index
    %get3A_1645 = arith.constant 2 : index
    %get3A_1646 = arith.constant 0 : index
    %get3A_1647 = vector.load %arg1[%get3A_1644, %get3A_1645, %get3A_1646] : memref<32x3x1024xi32, #tpu.memory_space<vmem>>, vector<1x1x1024xi32>
    %get3A_1648 = vector.shape_cast %get3A_1647 : vector<1x1x1024xi32> to vector<1024xi32>
    %convert_element_type3A_1649 = arith.sitofp %get3A_1648 : vector<1024xi32> to vector<1024xbf16>
    %broadcast_in_dim3A_1650 = vector.shape_cast %convert_element_type3A_1649 : vector<1024xbf16> to vector<1x1024xbf16>
    %sub3A_1651 = vector.broadcast %broadcast_in_dim3A_1650 : vector<1x1024xbf16> to vector<160x1024xbf16>
    %sub3A_1652 = arith.subf %convert_element_type3A, %sub3A_1651 : vector<160x1024xbf16>
    %abs3A_1653 = math.absf %sub3A_1652 : vector<160x1024xbf16>
    %sub3A_1654 = arith.constant 1.000000e+00 : bf16
    %sub3A_1655 = vector.broadcast %sub3A_1654 : bf16 to vector<160x1024xbf16>
    %sub3A_1656 = arith.subf %sub3A_1655, %abs3A_1653 : vector<160x1024xbf16>
    %max3A_1657 = arith.constant 0.000000e+00 : bf16
    %max3A_1658 = vector.broadcast %max3A_1657 : bf16 to vector<160x1024xbf16>
    %max3A_1659 = arith.maximumf %sub3A_1656, %max3A_1658 : vector<160x1024xbf16>
    %concatenate3A_1660 = tpu.concatenate %max3A_1627, %max3A_1643, %max3A_1659 in 0 : vector<160x1024xbf16>, vector<160x1024xbf16>, vector<160x1024xbf16> -> vector<480x1024xbf16>
    %get3A_1661 = arith.constant 0 : index
    %get3A_1662 = arith.constant 0 : index
    %get3A_1663 = vector.load %arg2[%get3A_1661, %get3A_1662] : memref<128x480xbf16, #tpu.memory_space<vmem>>, vector<128x480xbf16>
    %dot_general3A_1664 = arith.constant dense<0.000000e+00> : vector<128x1024xf32>
    %dot_general3A_1665 = tpu.matmul %get3A_1663, %concatenate3A_1660, %dot_general3A_1664 {dimension_numbers = #tpu.dot_dimension_numbers<[1], [0], [0], [1], [0, 0, 1, 1], [], []>, transpose_lhs_hint = false} : vector<128x480xbf16>, vector<480x1024xbf16>, vector<128x1024xf32> -> vector<128x1024xf32>
    %swap3A_1666 = arith.constant 27 : index
    %swap3A_1667 = arith.constant 0 : index
    %swap3A_1668 = arith.constant 0 : index
    %swap3A_1669 = vector.load %arg3[%swap3A_1666, %swap3A_1667, %swap3A_1668] : memref<32x128x1024xf32, #tpu.memory_space<vmem>>, vector<1x128x1024xf32>
    %swap3A_1670 = vector.shape_cast %swap3A_1669 : vector<1x128x1024xf32> to vector<128x1024xf32>
    %swap3A_1671 = vector.shape_cast %dot_general3A_1665 : vector<128x1024xf32> to vector<1x128x1024xf32>
    tpu.vector_store %arg3[%swap3A_1666, %swap3A_1667, %swap3A_1668], %swap3A_1671 {strides = array<i32>} : memref<32x128x1024xf32, #tpu.memory_space<vmem>>, vector<1x128x1024xf32>,
    %get3A_1672 = arith.constant 28 : index
    %get3A_1673 = arith.constant 0 : index
    %get3A_1674 = arith.constant 0 : index
    %get3A_1675 = vector.load %arg1[%get3A_1672, %get3A_1673, %get3A_1674] : memref<32x3x1024xi32, #tpu.memory_space<vmem>>, vector<1x1x1024xi32>
    %get3A_1676 = vector.shape_cast %get3A_1675 : vector<1x1x1024xi32> to vector<1024xi32>
    %convert_element_type3A_1677 = arith.sitofp %get3A_1676 : vector<1024xi32> to vector<1024xbf16>
    %broadcast_in_dim3A_1678 = vector.shape_cast %convert_element_type3A_1677 : vector<1024xbf16> to vector<1x1024xbf16>
    %sub3A_1679 = vector.broadcast %broadcast_in_dim3A_1678 : vector<1x1024xbf16> to vector<160x1024xbf16>
    %sub3A_1680 = arith.subf %convert_element_type3A, %sub3A_1679 : vector<160x1024xbf16>
    %abs3A_1681 = math.absf %sub3A_1680 : vector<160x1024xbf16>
    %sub3A_1682 = arith.constant 1.000000e+00 : bf16
    %sub3A_1683 = vector.broadcast %sub3A_1682 : bf16 to vector<160x1024xbf16>
    %sub3A_1684 = arith.subf %sub3A_1683, %abs3A_1681 : vector<160x1024xbf16>
    %max3A_1685 = arith.constant 0.000000e+00 : bf16
    %max3A_1686 = vector.broadcast %max3A_1685 : bf16 to vector<160x1024xbf16>
    %max3A_1687 = arith.maximumf %sub3A_1684, %max3A_1686 : vector<160x1024xbf16>
    %get3A_1688 = arith.constant 28 : index
    %get3A_1689 = arith.constant 1 : index
    %get3A_1690 = arith.constant 0 : index
    %get3A_1691 = vector.load %arg1[%get3A_1688, %get3A_1689, %get3A_1690] : memref<32x3x1024xi32, #tpu.memory_space<vmem>>, vector<1x1x1024xi32>
    %get3A_1692 = vector.shape_cast %get3A_1691 : vector<1x1x1024xi32> to vector<1024xi32>
    %convert_element_type3A_1693 = arith.sitofp %get3A_1692 : vector<1024xi32> to vector<1024xbf16>
    %broadcast_in_dim3A_1694 = vector.shape_cast %convert_element_type3A_1693 : vector<1024xbf16> to vector<1x1024xbf16>
    %sub3A_1695 = vector.broadcast %broadcast_in_dim3A_1694 : vector<1x1024xbf16> to vector<160x1024xbf16>
    %sub3A_1696 = arith.subf %convert_element_type3A, %sub3A_1695 : vector<160x1024xbf16>
    %abs3A_1697 = math.absf %sub3A_1696 : vector<160x1024xbf16>
    %sub3A_1698 = arith.constant 1.000000e+00 : bf16
    %sub3A_1699 = vector.broadcast %sub3A_1698 : bf16 to vector<160x1024xbf16>
    %sub3A_1700 = arith.subf %sub3A_1699, %abs3A_1697 : vector<160x1024xbf16>
    %max3A_1701 = arith.constant 0.000000e+00 : bf16
    %max3A_1702 = vector.broadcast %max3A_1701 : bf16 to vector<160x1024xbf16>
    %max3A_1703 = arith.maximumf %sub3A_1700, %max3A_1702 : vector<160x1024xbf16>
    %get3A_1704 = arith.constant 28 : index
    %get3A_1705 = arith.constant 2 : index
    %get3A_1706 = arith.constant 0 : index
    %get3A_1707 = vector.load %arg1[%get3A_1704, %get3A_1705, %get3A_1706] : memref<32x3x1024xi32, #tpu.memory_space<vmem>>, vector<1x1x1024xi32>
    %get3A_1708 = vector.shape_cast %get3A_1707 : vector<1x1x1024xi32> to vector<1024xi32>
    %convert_element_type3A_1709 = arith.sitofp %get3A_1708 : vector<1024xi32> to vector<1024xbf16>
    %broadcast_in_dim3A_1710 = vector.shape_cast %convert_element_type3A_1709 : vector<1024xbf16> to vector<1x1024xbf16>
    %sub3A_1711 = vector.broadcast %broadcast_in_dim3A_1710 : vector<1x1024xbf16> to vector<160x1024xbf16>
    %sub3A_1712 = arith.subf %convert_element_type3A, %sub3A_1711 : vector<160x1024xbf16>
    %abs3A_1713 = math.absf %sub3A_1712 : vector<160x1024xbf16>
    %sub3A_1714 = arith.constant 1.000000e+00 : bf16
    %sub3A_1715 = vector.broadcast %sub3A_1714 : bf16 to vector<160x1024xbf16>
    %sub3A_1716 = arith.subf %sub3A_1715, %abs3A_1713 : vector<160x1024xbf16>
    %max3A_1717 = arith.constant 0.000000e+00 : bf16
    %max3A_1718 = vector.broadcast %max3A_1717 : bf16 to vector<160x1024xbf16>
    %max3A_1719 = arith.maximumf %sub3A_1716, %max3A_1718 : vector<160x1024xbf16>
    %concatenate3A_1720 = tpu.concatenate %max3A_1687, %max3A_1703, %max3A_1719 in 0 : vector<160x1024xbf16>, vector<160x1024xbf16>, vector<160x1024xbf16> -> vector<480x1024xbf16>
    %get3A_1721 = arith.constant 0 : index
    %get3A_1722 = arith.constant 0 : index
    %get3A_1723 = vector.load %arg2[%get3A_1721, %get3A_1722] : memref<128x480xbf16, #tpu.memory_space<vmem>>, vector<128x480xbf16>
    %dot_general3A_1724 = arith.constant dense<0.000000e+00> : vector<128x1024xf32>
    %dot_general3A_1725 = tpu.matmul %get3A_1723, %concatenate3A_1720, %dot_general3A_1724 {dimension_numbers = #tpu.dot_dimension_numbers<[1], [0], [0], [1], [0, 0, 1, 1], [], []>, transpose_lhs_hint = false} : vector<128x480xbf16>, vector<480x1024xbf16>, vector<128x1024xf32> -> vector<128x1024xf32>
    %swap3A_1726 = arith.constant 28 : index
    %swap3A_1727 = arith.constant 0 : index
    %swap3A_1728 = arith.constant 0 : index
    %swap3A_1729 = vector.load %arg3[%swap3A_1726, %swap3A_1727, %swap3A_1728] : memref<32x128x1024xf32, #tpu.memory_space<vmem>>, vector<1x128x1024xf32>
    %swap3A_1730 = vector.shape_cast %swap3A_1729 : vector<1x128x1024xf32> to vector<128x1024xf32>
    %swap3A_1731 = vector.shape_cast %dot_general3A_1725 : vector<128x1024xf32> to vector<1x128x1024xf32>
    tpu.vector_store %arg3[%swap3A_1726, %swap3A_1727, %swap3A_1728], %swap3A_1731 {strides = array<i32>} : memref<32x128x1024xf32, #tpu.memory_space<vmem>>, vector<1x128x1024xf32>,
    %get3A_1732 = arith.constant 29 : index
    %get3A_1733 = arith.constant 0 : index
    %get3A_1734 = arith.constant 0 : index
    %get3A_1735 = vector.load %arg1[%get3A_1732, %get3A_1733, %get3A_1734] : memref<32x3x1024xi32, #tpu.memory_space<vmem>>, vector<1x1x1024xi32>
    %get3A_1736 = vector.shape_cast %get3A_1735 : vector<1x1x1024xi32> to vector<1024xi32>
    %convert_element_type3A_1737 = arith.sitofp %get3A_1736 : vector<1024xi32> to vector<1024xbf16>
    %broadcast_in_dim3A_1738 = vector.shape_cast %convert_element_type3A_1737 : vector<1024xbf16> to vector<1x1024xbf16>
    %sub3A_1739 = vector.broadcast %broadcast_in_dim3A_1738 : vector<1x1024xbf16> to vector<160x1024xbf16>
    %sub3A_1740 = arith.subf %convert_element_type3A, %sub3A_1739 : vector<160x1024xbf16>
    %abs3A_1741 = math.absf %sub3A_1740 : vector<160x1024xbf16>
    %sub3A_1742 = arith.constant 1.000000e+00 : bf16
    %sub3A_1743 = vector.broadcast %sub3A_1742 : bf16 to vector<160x1024xbf16>
    %sub3A_1744 = arith.subf %sub3A_1743, %abs3A_1741 : vector<160x1024xbf16>
    %max3A_1745 = arith.constant 0.000000e+00 : bf16
    %max3A_1746 = vector.broadcast %max3A_1745 : bf16 to vector<160x1024xbf16>
    %max3A_1747 = arith.maximumf %sub3A_1744, %max3A_1746 : vector<160x1024xbf16>
    %get3A_1748 = arith.constant 29 : index
    %get3A_1749 = arith.constant 1 : index
    %get3A_1750 = arith.constant 0 : index
    %get3A_1751 = vector.load %arg1[%get3A_1748, %get3A_1749, %get3A_1750] : memref<32x3x1024xi32, #tpu.memory_space<vmem>>, vector<1x1x1024xi32>
    %get3A_1752 = vector.shape_cast %get3A_1751 : vector<1x1x1024xi32> to vector<1024xi32>
    %convert_element_type3A_1753 = arith.sitofp %get3A_1752 : vector<1024xi32> to vector<1024xbf16>
    %broadcast_in_dim3A_1754 = vector.shape_cast %convert_element_type3A_1753 : vector<1024xbf16> to vector<1x1024xbf16>
    %sub3A_1755 = vector.broadcast %broadcast_in_dim3A_1754 : vector<1x1024xbf16> to vector<160x1024xbf16>
    %sub3A_1756 = arith.subf %convert_element_type3A, %sub3A_1755 : vector<160x1024xbf16>
    %abs3A_1757 = math.absf %sub3A_1756 : vector<160x1024xbf16>
    %sub3A_1758 = arith.constant 1.000000e+00 : bf16
    %sub3A_1759 = vector.broadcast %sub3A_1758 : bf16 to vector<160x1024xbf16>
    %sub3A_1760 = arith.subf %sub3A_1759, %abs3A_1757 : vector<160x1024xbf16>
    %max3A_1761 = arith.constant 0.000000e+00 : bf16
    %max3A_1762 = vector.broadcast %max3A_1761 : bf16 to vector<160x1024xbf16>
    %max3A_1763 = arith.maximumf %sub3A_1760, %max3A_1762 : vector<160x1024xbf16>
    %get3A_1764 = arith.constant 29 : index
    %get3A_1765 = arith.constant 2 : index
    %get3A_1766 = arith.constant 0 : index
    %get3A_1767 = vector.load %arg1[%get3A_1764, %get3A_1765, %get3A_1766] : memref<32x3x1024xi32, #tpu.memory_space<vmem>>, vector<1x1x1024xi32>
    %get3A_1768 = vector.shape_cast %get3A_1767 : vector<1x1x1024xi32> to vector<1024xi32>
    %convert_element_type3A_1769 = arith.sitofp %get3A_1768 : vector<1024xi32> to vector<1024xbf16>
    %broadcast_in_dim3A_1770 = vector.shape_cast %convert_element_type3A_1769 : vector<1024xbf16> to vector<1x1024xbf16>
    %sub3A_1771 = vector.broadcast %broadcast_in_dim3A_1770 : vector<1x1024xbf16> to vector<160x1024xbf16>
    %sub3A_1772 = arith.subf %convert_element_type3A, %sub3A_1771 : vector<160x1024xbf16>
    %abs3A_1773 = math.absf %sub3A_1772 : vector<160x1024xbf16>
    %sub3A_1774 = arith.constant 1.000000e+00 : bf16
    %sub3A_1775 = vector.broadcast %sub3A_1774 : bf16 to vector<160x1024xbf16>
    %sub3A_1776 = arith.subf %sub3A_1775, %abs3A_1773 : vector<160x1024xbf16>
    %max3A_1777 = arith.constant 0.000000e+00 : bf16
    %max3A_1778 = vector.broadcast %max3A_1777 : bf16 to vector<160x1024xbf16>
    %max3A_1779 = arith.maximumf %sub3A_1776, %max3A_1778 : vector<160x1024xbf16>
    %concatenate3A_1780 = tpu.concatenate %max3A_1747, %max3A_1763, %max3A_1779 in 0 : vector<160x1024xbf16>, vector<160x1024xbf16>, vector<160x1024xbf16> -> vector<480x1024xbf16>
    %get3A_1781 = arith.constant 0 : index
    %get3A_1782 = arith.constant 0 : index
    %get3A_1783 = vector.load %arg2[%get3A_1781, %get3A_1782] : memref<128x480xbf16, #tpu.memory_space<vmem>>, vector<128x480xbf16>
    %dot_general3A_1784 = arith.constant dense<0.000000e+00> : vector<128x1024xf32>
    %dot_general3A_1785 = tpu.matmul %get3A_1783, %concatenate3A_1780, %dot_general3A_1784 {dimension_numbers = #tpu.dot_dimension_numbers<[1], [0], [0], [1], [0, 0, 1, 1], [], []>, transpose_lhs_hint = false} : vector<128x480xbf16>, vector<480x1024xbf16>, vector<128x1024xf32> -> vector<128x1024xf32>
    %swap3A_1786 = arith.constant 29 : index
    %swap3A_1787 = arith.constant 0 : index
    %swap3A_1788 = arith.constant 0 : index
    %swap3A_1789 = vector.load %arg3[%swap3A_1786, %swap3A_1787, %swap3A_1788] : memref<32x128x1024xf32, #tpu.memory_space<vmem>>, vector<1x128x1024xf32>
    %swap3A_1790 = vector.shape_cast %swap3A_1789 : vector<1x128x1024xf32> to vector<128x1024xf32>
    %swap3A_1791 = vector.shape_cast %dot_general3A_1785 : vector<128x1024xf32> to vector<1x128x1024xf32>
    tpu.vector_store %arg3[%swap3A_1786, %swap3A_1787, %swap3A_1788], %swap3A_1791 {strides = array<i32>} : memref<32x128x1024xf32, #tpu.memory_space<vmem>>, vector<1x128x1024xf32>,
    %get3A_1792 = arith.constant 30 : index
    %get3A_1793 = arith.constant 0 : index
    %get3A_1794 = arith.constant 0 : index
    %get3A_1795 = vector.load %arg1[%get3A_1792, %get3A_1793, %get3A_1794] : memref<32x3x1024xi32, #tpu.memory_space<vmem>>, vector<1x1x1024xi32>
    %get3A_1796 = vector.shape_cast %get3A_1795 : vector<1x1x1024xi32> to vector<1024xi32>
    %convert_element_type3A_1797 = arith.sitofp %get3A_1796 : vector<1024xi32> to vector<1024xbf16>
    %broadcast_in_dim3A_1798 = vector.shape_cast %convert_element_type3A_1797 : vector<1024xbf16> to vector<1x1024xbf16>
    %sub3A_1799 = vector.broadcast %broadcast_in_dim3A_1798 : vector<1x1024xbf16> to vector<160x1024xbf16>
    %sub3A_1800 = arith.subf %convert_element_type3A, %sub3A_1799 : vector<160x1024xbf16>
    %abs3A_1801 = math.absf %sub3A_1800 : vector<160x1024xbf16>
    %sub3A_1802 = arith.constant 1.000000e+00 : bf16
    %sub3A_1803 = vector.broadcast %sub3A_1802 : bf16 to vector<160x1024xbf16>
    %sub3A_1804 = arith.subf %sub3A_1803, %abs3A_1801 : vector<160x1024xbf16>
    %max3A_1805 = arith.constant 0.000000e+00 : bf16
    %max3A_1806 = vector.broadcast %max3A_1805 : bf16 to vector<160x1024xbf16>
    %max3A_1807 = arith.maximumf %sub3A_1804, %max3A_1806 : vector<160x1024xbf16>
    %get3A_1808 = arith.constant 30 : index
    %get3A_1809 = arith.constant 1 : index
    %get3A_1810 = arith.constant 0 : index
    %get3A_1811 = vector.load %arg1[%get3A_1808, %get3A_1809, %get3A_1810] : memref<32x3x1024xi32, #tpu.memory_space<vmem>>, vector<1x1x1024xi32>
    %get3A_1812 = vector.shape_cast %get3A_1811 : vector<1x1x1024xi32> to vector<1024xi32>
    %convert_element_type3A_1813 = arith.sitofp %get3A_1812 : vector<1024xi32> to vector<1024xbf16>
    %broadcast_in_dim3A_1814 = vector.shape_cast %convert_element_type3A_1813 : vector<1024xbf16> to vector<1x1024xbf16>
    %sub3A_1815 = vector.broadcast %broadcast_in_dim3A_1814 : vector<1x1024xbf16> to vector<160x1024xbf16>
    %sub3A_1816 = arith.subf %convert_element_type3A, %sub3A_1815 : vector<160x1024xbf16>
    %abs3A_1817 = math.absf %sub3A_1816 : vector<160x1024xbf16>
    %sub3A_1818 = arith.constant 1.000000e+00 : bf16
    %sub3A_1819 = vector.broadcast %sub3A_1818 : bf16 to vector<160x1024xbf16>
    %sub3A_1820 = arith.subf %sub3A_1819, %abs3A_1817 : vector<160x1024xbf16>
    %max3A_1821 = arith.constant 0.000000e+00 : bf16
    %max3A_1822 = vector.broadcast %max3A_1821 : bf16 to vector<160x1024xbf16>
    %max3A_1823 = arith.maximumf %sub3A_1820, %max3A_1822 : vector<160x1024xbf16>
    %get3A_1824 = arith.constant 30 : index
    %get3A_1825 = arith.constant 2 : index
    %get3A_1826 = arith.constant 0 : index
    %get3A_1827 = vector.load %arg1[%get3A_1824, %get3A_1825, %get3A_1826] : memref<32x3x1024xi32, #tpu.memory_space<vmem>>, vector<1x1x1024xi32>
    %get3A_1828 = vector.shape_cast %get3A_1827 : vector<1x1x1024xi32> to vector<1024xi32>
    %convert_element_type3A_1829 = arith.sitofp %get3A_1828 : vector<1024xi32> to vector<1024xbf16>
    %broadcast_in_dim3A_1830 = vector.shape_cast %convert_element_type3A_1829 : vector<1024xbf16> to vector<1x1024xbf16>
    %sub3A_1831 = vector.broadcast %broadcast_in_dim3A_1830 : vector<1x1024xbf16> to vector<160x1024xbf16>
    %sub3A_1832 = arith.subf %convert_element_type3A, %sub3A_1831 : vector<160x1024xbf16>
    %abs3A_1833 = math.absf %sub3A_1832 : vector<160x1024xbf16>
    %sub3A_1834 = arith.constant 1.000000e+00 : bf16
    %sub3A_1835 = vector.broadcast %sub3A_1834 : bf16 to vector<160x1024xbf16>
    %sub3A_1836 = arith.subf %sub3A_1835, %abs3A_1833 : vector<160x1024xbf16>
    %max3A_1837 = arith.constant 0.000000e+00 : bf16
    %max3A_1838 = vector.broadcast %max3A_1837 : bf16 to vector<160x1024xbf16>
    %max3A_1839 = arith.maximumf %sub3A_1836, %max3A_1838 : vector<160x1024xbf16>
    %concatenate3A_1840 = tpu.concatenate %max3A_1807, %max3A_1823, %max3A_1839 in 0 : vector<160x1024xbf16>, vector<160x1024xbf16>, vector<160x1024xbf16> -> vector<480x1024xbf16>
    %get3A_1841 = arith.constant 0 : index
    %get3A_1842 = arith.constant 0 : index
    %get3A_1843 = vector.load %arg2[%get3A_1841, %get3A_1842] : memref<128x480xbf16, #tpu.memory_space<vmem>>, vector<128x480xbf16>
    %dot_general3A_1844 = arith.constant dense<0.000000e+00> : vector<128x1024xf32>
    %dot_general3A_1845 = tpu.matmul %get3A_1843, %concatenate3A_1840, %dot_general3A_1844 {dimension_numbers = #tpu.dot_dimension_numbers<[1], [0], [0], [1], [0, 0, 1, 1], [], []>, transpose_lhs_hint = false} : vector<128x480xbf16>, vector<480x1024xbf16>, vector<128x1024xf32> -> vector<128x1024xf32>
    %swap3A_1846 = arith.constant 30 : index
    %swap3A_1847 = arith.constant 0 : index
    %swap3A_1848 = arith.constant 0 : index
    %swap3A_1849 = vector.load %arg3[%swap3A_1846, %swap3A_1847, %swap3A_1848] : memref<32x128x1024xf32, #tpu.memory_space<vmem>>, vector<1x128x1024xf32>
    %swap3A_1850 = vector.shape_cast %swap3A_1849 : vector<1x128x1024xf32> to vector<128x1024xf32>
    %swap3A_1851 = vector.shape_cast %dot_general3A_1845 : vector<128x1024xf32> to vector<1x128x1024xf32>
    tpu.vector_store %arg3[%swap3A_1846, %swap3A_1847, %swap3A_1848], %swap3A_1851 {strides = array<i32>} : memref<32x128x1024xf32, #tpu.memory_space<vmem>>, vector<1x128x1024xf32>,
    %get3A_1852 = arith.constant 31 : index
    %get3A_1853 = arith.constant 0 : index
    %get3A_1854 = arith.constant 0 : index
    %get3A_1855 = vector.load %arg1[%get3A_1852, %get3A_1853, %get3A_1854] : memref<32x3x1024xi32, #tpu.memory_space<vmem>>, vector<1x1x1024xi32>
    %get3A_1856 = vector.shape_cast %get3A_1855 : vector<1x1x1024xi32> to vector<1024xi32>
    %convert_element_type3A_1857 = arith.sitofp %get3A_1856 : vector<1024xi32> to vector<1024xbf16>
    %broadcast_in_dim3A_1858 = vector.shape_cast %convert_element_type3A_1857 : vector<1024xbf16> to vector<1x1024xbf16>
    %sub3A_1859 = vector.broadcast %broadcast_in_dim3A_1858 : vector<1x1024xbf16> to vector<160x1024xbf16>
    %sub3A_1860 = arith.subf %convert_element_type3A, %sub3A_1859 : vector<160x1024xbf16>
    %abs3A_1861 = math.absf %sub3A_1860 : vector<160x1024xbf16>
    %sub3A_1862 = arith.constant 1.000000e+00 : bf16
    %sub3A_1863 = vector.broadcast %sub3A_1862 : bf16 to vector<160x1024xbf16>
    %sub3A_1864 = arith.subf %sub3A_1863, %abs3A_1861 : vector<160x1024xbf16>
    %max3A_1865 = arith.constant 0.000000e+00 : bf16
    %max3A_1866 = vector.broadcast %max3A_1865 : bf16 to vector<160x1024xbf16>
    %max3A_1867 = arith.maximumf %sub3A_1864, %max3A_1866 : vector<160x1024xbf16>
    %get3A_1868 = arith.constant 31 : index
    %get3A_1869 = arith.constant 1 : index
    %get3A_1870 = arith.constant 0 : index
    %get3A_1871 = vector.load %arg1[%get3A_1868, %get3A_1869, %get3A_1870] : memref<32x3x1024xi32, #tpu.memory_space<vmem>>, vector<1x1x1024xi32>
    %get3A_1872 = vector.shape_cast %get3A_1871 : vector<1x1x1024xi32> to vector<1024xi32>
    %convert_element_type3A_1873 = arith.sitofp %get3A_1872 : vector<1024xi32> to vector<1024xbf16>
    %broadcast_in_dim3A_1874 = vector.shape_cast %convert_element_type3A_1873 : vector<1024xbf16> to vector<1x1024xbf16>
    %sub3A_1875 = vector.broadcast %broadcast_in_dim3A_1874 : vector<1x1024xbf16> to vector<160x1024xbf16>
    %sub3A_1876 = arith.subf %convert_element_type3A, %sub3A_1875 : vector<160x1024xbf16>
    %abs3A_1877 = math.absf %sub3A_1876 : vector<160x1024xbf16>
    %sub3A_1878 = arith.constant 1.000000e+00 : bf16
    %sub3A_1879 = vector.broadcast %sub3A_1878 : bf16 to vector<160x1024xbf16>
    %sub3A_1880 = arith.subf %sub3A_1879, %abs3A_1877 : vector<160x1024xbf16>
    %max3A_1881 = arith.constant 0.000000e+00 : bf16
    %max3A_1882 = vector.broadcast %max3A_1881 : bf16 to vector<160x1024xbf16>
    %max3A_1883 = arith.maximumf %sub3A_1880, %max3A_1882 : vector<160x1024xbf16>
    %get3A_1884 = arith.constant 31 : index
    %get3A_1885 = arith.constant 2 : index
    %get3A_1886 = arith.constant 0 : index
    %get3A_1887 = vector.load %arg1[%get3A_1884, %get3A_1885, %get3A_1886] : memref<32x3x1024xi32, #tpu.memory_space<vmem>>, vector<1x1x1024xi32>
    %get3A_1888 = vector.shape_cast %get3A_1887 : vector<1x1x1024xi32> to vector<1024xi32>
    %convert_element_type3A_1889 = arith.sitofp %get3A_1888 : vector<1024xi32> to vector<1024xbf16>
    %broadcast_in_dim3A_1890 = vector.shape_cast %convert_element_type3A_1889 : vector<1024xbf16> to vector<1x1024xbf16>
    %sub3A_1891 = vector.broadcast %broadcast_in_dim3A_1890 : vector<1x1024xbf16> to vector<160x1024xbf16>
    %sub3A_1892 = arith.subf %convert_element_type3A, %sub3A_1891 : vector<160x1024xbf16>
    %abs3A_1893 = math.absf %sub3A_1892 : vector<160x1024xbf16>
    %sub3A_1894 = arith.constant 1.000000e+00 : bf16
    %sub3A_1895 = vector.broadcast %sub3A_1894 : bf16 to vector<160x1024xbf16>
    %sub3A_1896 = arith.subf %sub3A_1895, %abs3A_1893 : vector<160x1024xbf16>
    %max3A_1897 = arith.constant 0.000000e+00 : bf16
    %max3A_1898 = vector.broadcast %max3A_1897 : bf16 to vector<160x1024xbf16>
    %max3A_1899 = arith.maximumf %sub3A_1896, %max3A_1898 : vector<160x1024xbf16>
    %concatenate3A_1900 = tpu.concatenate %max3A_1867, %max3A_1883, %max3A_1899 in 0 : vector<160x1024xbf16>, vector<160x1024xbf16>, vector<160x1024xbf16> -> vector<480x1024xbf16>
    %get3A_1901 = arith.constant 0 : index
    %get3A_1902 = arith.constant 0 : index
    %get3A_1903 = vector.load %arg2[%get3A_1901, %get3A_1902] : memref<128x480xbf16, #tpu.memory_space<vmem>>, vector<128x480xbf16>
    %dot_general3A_1904 = arith.constant dense<0.000000e+00> : vector<128x1024xf32>
    %dot_general3A_1905 = tpu.matmul %get3A_1903, %concatenate3A_1900, %dot_general3A_1904 {dimension_numbers = #tpu.dot_dimension_numbers<[1], [0], [0], [1], [0, 0, 1, 1], [], []>, transpose_lhs_hint = false} : vector<128x480xbf16>, vector<480x1024xbf16>, vector<128x1024xf32> -> vector<128x1024xf32>
    %swap3A_1906 = arith.constant 31 : index
    %swap3A_1907 = arith.constant 0 : index
    %swap3A_1908 = arith.constant 0 : index
    %swap3A_1909 = vector.load %arg3[%swap3A_1906, %swap3A_1907, %swap3A_1908] : memref<32x128x1024xf32, #tpu.memory_space<vmem>>, vector<1x128x1024xf32>
    %swap3A_1910 = vector.shape_cast %swap3A_1909 : vector<1x128x1024xf32> to vector<128x1024xf32>
    %swap3A_1911 = vector.shape_cast %dot_general3A_1905 : vector<128x1024xf32> to vector<1x128x1024xf32>
    tpu.vector_store %arg3[%swap3A_1906, %swap3A_1907, %swap3A_1908], %swap3A_1911 {strides = array<i32>} : memref<32x128x1024xf32, #tpu.memory_space<vmem>>, vector<1x128x1024xf32>,
    return
  }
  func.func @transform_0(%arg0: i32) -> (i32, i32, i32) {
    %c0_i32 = arith.constant 0 : i32
    %c0_i32_0 = arith.constant 0 : i32
    %c0_i32_1 = arith.constant 0 : i32
    return %arg0, %c0_i32, %c0_i32_0 : i32, i32, i32
  }
  func.func @transform_1(%arg0: i32) -> (i32, i32) {
    %c0_i32 = arith.constant 0 : i32
    %c0_i32_0 = arith.constant 0 : i32
    %c0_i32_1 = arith.constant 0 : i32
    return %c0_i32, %c0_i32_0 : i32, i32
  }
  func.func @transform_2(%arg0: i32) -> (i32, i32, i32) {
    %c0_i32 = arith.constant 0 : i32
    %c0_i32_0 = arith.constant 0 : i32
    %c0_i32_1 = arith.constant 0 : i32
    return %arg0, %c0_i32, %c0_i32_0 : i32, i32, i32
  }
}

</mosaic_0001>

<sc_bundles>
// kernel: kernel.4.cloned.1.call-start
scs
__scs_entry_jumppad:
0x0: {  	(pc) =	sbr.rel $0x88, $3  }
0x1: {  	(tag) =	ssettag $0x0;
	lr =	simm.s32 $0x1  }
0x2: {  	[smem:$0x3F9F] =	sst lr;
	_ =	strace $0xD0000000  }
0x3: {  	_ = 	snop  }
0x4: {  	_ = 	snop  }
0x5: {  	_ = 	snop  }
0x6: {  	_ = 	snop  }
0x7: {  	_ = 	snop  }
__scs_overlays_trampoline_lowered:
0x8: {  	[smem:$0x3FAE] =	sst s0  }
0x9: {  	[smem:$0x3FAF] =	sst s1  }
0xa: {  	[smem:$0x3FB0] =	sst s2  }
0xb: {  	[smem:$0x3FB1] =	sst s3  }
0xc: {  	[smem:$0x3FB2] =	sst s4  }
0xd: {  	[smem:$0x3FB3] =	sst s5  }
0xe: {  	[smem:$0x3FB4] =	sst s6  }
0xf: {  	[smem:$0x3FB5] =	sst s7  }
0x10: {  	[smem:$0x3FB6] =	sst s8  }
0x11: {  	[smem:$0x3FB7] =	sst s9;
	s0 =	simm.s32 @!p0 $0x0  }
0x12: {  	s1 =	sld [smem:$0x3F9D];
	s0 =	simm.s32 @p0 $0x1  }
0x13: {  	[smem:$0x3FB8] =	sst s0;
	s0 =	simm.s32 @!p1 $0x0  }
0x14: {  	s2 =	sld [smem:$0x3F9C];
	s0 =	simm.s32 @p1 $0x1  }
0x15: {  	[smem:$0x3FB9] =	sst s0;
	s0 =	simm.s32 @!p2 $0x0  }
0x16: {  	s3 =	sld [smem:$0x3FDB];
	s0 =	simm.s32 @p2 $0x1  }
0x17: {  	s4 =	simm.s32 $0x1BF5;
	[smem:$0x3FBB] =	sst s0  }
0x18: {  	s0 =	sld [smem:$0x3F9E];
	_ =	swait.ge [sflag:s4], $0x0  }
0x19: {  	s7 =	sld [smem:$0x3F9F]  }
0x1a: {  	s8 =	sadd.s32 $0xFFFFE003, lr  }
0x1b: {  	s9 =	sadd.s32 $0xFFFFFEF7, lr;
	s5 =	simm.s32 $0xFFFFFFFF;
	p2 =	slt.u32 s8, $0xFFFFF086  }
0x1c: {  	p1 =	slt.u32 s9, $0xF7A;
	s5 =	simm.s32 @!p2 $0x0  }
0x1d: {  	s5 =	simm.s32 @p1 $0x1;
	p0 =	seq.s32 s7, s2  }
0x1e: {  	s7 =	smul.u32 @!p0 $0xF7A, s2;
	p2 =	seq.s32 @!p0 s5, $0x0  }
0x1f: {  	s9 =	smul.u32 $0xF7A, s1;
	s8 =	simm.s32 @!p0 $0x1BF5;
	p2 =	por !p2, p0  }
0x20: {  	[sflag:s8] =	ssyncset.s32 @!p0 $0xFFFFF086;
	s6 =	sadd.s32 @!p0 s3, s7;
	s7 =	simm.s32 @!p0 $0x108  }
0x21: {  	s3 =	sadd.s32 s3, s9;
	s6 =	sadd.s32 @!p0 $0x88, s6;
	s7 =	simm.s32 @p2 $0x1082  }
0x22: {  	[simem:s7], [sflag:s8] =	dma.local @!p0 [hbm:s6], $0xF7A  }
0x23: {  	s9 =	sor.u32 $0xD0000000, s2;
	s6 =	simm.s32 $0x108;
	_ =	swait.ge @!p0 [sflag:s8], $0x0  }
0x24: {  	s3 =	sadd.s32 $0x88, s3;
	s6 =	simm.s32 @!p1 $0x1082;
	[sflag:s4] =	ssyncset.s32 $0xFFFFF086  }
0x25: {  	[simem:s6], [sflag:s4] =	dma.local [hbm:s3], $0xF7A  }
0x26: {  	[smem:$0x3F9F] =	sst s1;
	(tag) =	ssettag s2;
	_ =	strace s9  }
0x27: {  	s1 =	sld [smem:$0x3FAF]  }
0x28: {  	s2 =	sld [smem:$0x3FB0]  }
0x29: {  	s4 =	sld [smem:$0x3FB2]  }
0x2a: {  	p0 =	seq.s32 s5, $0x0;
	s5 =	sld [smem:$0x3FB3]  }
0x2b: {  	s6 =	sld [smem:$0x3FB4]  }
0x2c: {  	s7 =	sld [smem:$0x3FB5]  }
0x2d: {  	s3 =	simm.s32 $0x108;
	s8 =	sld [smem:$0x3FB6]  }
0x2e: {  	s3 =	simm.s32 @!p0 $0x1082;
	s9 =	sld [smem:$0x3FB7]  }
0x2f: {  	lr =	sadd.s32 s0, s3;
	s0 =	sld [smem:$0x3FAE]  }
0x30: {  	s3 =	sld [smem:$0x3FB1]  }
0x31: {  	[smem:$0x3FBA] =	sst s10  }
0x32: {  	s10 =	sld [smem:$0x3FB8];
	_ =	sdelay $0x3  }
0x33: {  	p0 =	seq.s32 s10, $0x1;
	s10 =	sld [smem:$0x3FBA];
	_ =	sdelay $0x3  }
0x34: {  	[smem:$0x3FBA] =	sst s10  }
0x35: {  	s10 =	sld [smem:$0x3FB9];
	_ =	sdelay $0x3  }
0x36: {  	p1 =	seq.s32 s10, $0x1;
	s10 =	sld [smem:$0x3FBA];
	_ =	sdelay $0x3  }
0x37: {  	[smem:$0x3FBA] =	sst s10  }
0x38: {  	s10 =	sld [smem:$0x3FBB]  }
0x39: {  	_ = 	snop;
	(pc) =	sbr.ind lr, $3  }
0x3a: {  	_ = 	snop  }
0x3b: {  	_ = 	snop  }
0x3c: {  	p2 =	seq.s32 s10, $0x1;
	s10 =	sld [smem:$0x3FBA]  }
0x3d: {  	_ =	shalt  }
0x3e: {  	_ =	shalt  }
0x3f: {  	_ =	shalt  }
0x40: {  	_ =	shalt  }
0x41: {  	_ =	shalt  }
0x42: {  	_ =	shalt  }
0x43: {  	_ =	shalt  }
0x44: {  	_ =	shalt  }
0x45: {  	_ =	shalt  }
0x46: {  	_ =	shalt  }
0x47: {  	_ =	shalt  }
0x48: {  	_ =	shalt  }
0x49: {  	_ =	shalt  }
0x4a: {  	_ =	shalt  }
0x4b: {  	_ =	shalt  }
0x4c: {  	_ =	shalt  }
0x4d: {  	_ =	shalt  }
0x4e: {  	_ =	shalt  }
0x4f: {  	_ =	shalt  }
0x50: {  	_ =	shalt  }
0x51: {  	_ =	shalt  }
0x52: {  	_ =	shalt  }
0x53: {  	_ =	shalt  }
0x54: {  	_ =	shalt  }
0x55: {  	_ =	shalt  }
0x56: {  	_ =	shalt  }
0x57: {  	_ =	shalt  }
0x58: {  	_ =	shalt  }
0x59: {  	_ =	shalt  }
0x5a: {  	_ =	shalt  }
0x5b: {  	_ =	shalt  }
0x5c: {  	_ =	shalt  }
0x5d: {  	_ =	shalt  }
0x5e: {  	_ =	shalt  }
0x5f: {  	_ =	shalt  }
0x60: {  	_ =	shalt  }
0x61: {  	_ =	shalt  }
0x62: {  	_ =	shalt  }
0x63: {  	_ =	shalt  }
0x64: {  	_ =	shalt  }
0x65: {  	_ =	shalt  }
0x66: {  	_ =	shalt  }
0x67: {  	_ =	shalt  }
0x68: {  	_ =	shalt  }
0x69: {  	_ =	shalt  }
0x6a: {  	_ =	shalt  }
0x6b: {  	_ =	shalt  }
0x6c: {  	_ =	shalt  }
0x6d: {  	_ =	shalt  }
0x6e: {  	_ =	shalt  }
0x6f: {  	_ =	shalt  }
0x70: {  	_ =	shalt  }
0x71: {  	_ =	shalt  }
0x72: {  	_ =	shalt  }
0x73: {  	_ =	shalt  }
0x74: {  	_ =	shalt  }
0x75: {  	_ =	shalt  }
0x76: {  	_ =	shalt  }
0x77: {  	_ =	shalt  }
0x78: {  	_ =	shalt  }
0x79: {  	_ =	shalt  }
0x7a: {  	_ =	shalt  }
0x7b: {  	_ =	shalt  }
0x7c: {  	_ =	shalt  }
0x7d: {  	_ =	shalt  }
0x7e: {  	_ =	shalt  }
0x7f: {  	_ =	shalt  }
0x80: {  	_ =	shalt  }
0x81: {  	_ =	shalt  }
0x82: {  	_ =	shalt  }
0x83: {  	_ =	shalt  }
0x84: {  	_ =	shalt  }
0x85: {  	_ =	shalt  }
0x86: {  	_ =	shalt  }
0x87: {  	_ =	shalt  }
.Lfunc_end0:
.L_simem_size_0:
called_computation.1_lowered:
.L_overlay_start_0:
0x88: {  	s2 =	sld [smem:$0x3FD9]  }
0x89: {  	s3 =	sld [smem:$0x3FFE];
	_ =	sdelay $0x1  }
0x8a: {  	s1 =	srdreg.scid  }
0x8b: {  	s0 =	sand.u32 $0x1, s1  }
0x8c: {  	s16 =	sshll.u32 s0, $0xA;
	s2 =	sadd.s32 s3, s2  }
0x8d: {  	s2 =	sadd.s32 s2, s16  }
0x8e: {  	[smem:$0x3FC6] =	sst s2  }
0x8f: {  	_ = 	snop  }
0x90: {  	(tm) =	ssettm $0x1  }
0x91: {  	s17 =	sld [smem:$0x3FFB];
	_ =	sdelay $0x3  }
0x92: {  	_ =	strace s17  }
0x93: {  	s2 =	sld [smem:$0x3FFC];
	_ =	sdelay $0x3  }
0x94: {  	_ =	strace s2  }
0x95: {  	s2 =	sld [smem:$0x3FFD];
	_ =	sdelay $0x3  }
0x96: {  	_ =	strace s2  }
0x97: {  	_ =	strace $0x8FFFFFFF  }
0x98: {  	s18 =	sld [smem:$0x3FDB];
	_ =	sdelay $0x1  }
0x99: {  	s19 =	simm.s32 $_scs_section_size  }
0x9a: {  	s4 =	simm.s32 $_size__tile_overlayer_lowered;
	s5 =	simm.s32 $_tile_overlayer_lowered  }
0x9b: {  	s22 =	simm.s32 $0x1BFF;
	s21 =	sshll.u32 s5, $0x1;
	s2 =	sadd.s32 s19, s18  }
0x9c: {  	s6 =	simm.s32 $0x0;
	s20 =	sshll.u32 s4, $0x1;
	s4 =	sadd.s32 s21, s2  }
0x9d: {  	[timem:s6], [sflag:s22] =	dma.local [hbm:s4], s20  }
0x9e: {  	_ =	swait.ge [sflag:s22], s20  }
0x9f: {  	s3 =	ssub.s32 $0x0, s20;
	[sflag:s22] =	ssyncset.done $0x0  }
0xa0: {  	[sflag:s22] =	ssyncadd.s32 s3;
	_ =	sdelay $0x1  }
0xa1: {  	s23 =	simm.s32 $0x1B8B  }
0xa2: {  	_ =	swait.ge [sflag:s23], $0x1  }
0xa3: {  	[sflag:s23] =	ssyncset.done $0x0  }
0xa4: {  	s25 =	simm.s32 $0x1B8E;
	s24 =	sld [smem:$0x3FFE];
	[sflag:s23] =	ssyncadd.s32 $0xFFFFFFFF  }
0xa5: {  	s26 =	simm.s32 $execute0_lowered;
	[smem:$0x3FD2] =	sst s25  }
0xa6: {  	s4 =	sshll.u32 s26, $0x1;
	_ =	strace $0x80000046;
	[dreg:$0x1] =	wrdreg $0xFFFFFFFF  }
0xa7: {  	s28 =	simm.s32 $_size_execute0_lowered;
	s2 =	sadd.s32 s2, s4;
	[dreg:$0x0] =	wrdreg $0x0  }
0xa8: {  	s4 =	sshll.u32 s28, $0x1;
	[dreg:$0x2] =	wrdreg s2  }
0xa9: {  	[dreg:$0x3] =	wrdreg s4  }
0xaa: {  	[dreg:$0x4] =	wrdreg $0xC0  }
0xab: {  	_ =	task [dreg:s6], $0x5FFFF  }
0xac: {  	[dreg:$0x1] =	wrdreg $0xFFFFFFFF  }
0xad: {  	[dreg:$0x0] =	wrdreg $0x60  }
0xae: {  	[dreg:$0x2] =	wrdreg s24  }
0xaf: {  	[dreg:$0x3] =	wrdreg $0x9  }
0xb0: {  	_ =	task.clear_ibuf [dreg:s6], $0x4FFFF;
	_ =	strace $0x90000046  }
0xb1: {  	s29 =	simm.s32 $0x9;
	_ =	strace $0x80000048  }
0xb2: {  	_ =	swait.ge [sflag:s29], $0x1  }
0xb3: {  	[sflag:s29] =	ssyncadd.s32 $0xFFFFFFFF  }
0xb4: {  	_ =	strace $0x90000048  }
0xb5: {  	_ =	sfence  }
0xb6: {  	s30 =	sld [smem:$0x0];
	_ =	sdelay $0x2  }
0xb7: {  	s31 =	sshll.u32 s1, $0xD;
	s1 =	sshrl.u32 s1, $0x2  }
0xb8: {  	s3 =	sand.u32 $0x4000, s31;
	s1 =	sadd.s32 s1, s30  }
0xb9: {  	s0 =	sor.u32 s3, s0;
	s1 =	sshll.u32 s1, $0x11  }
0xba: {  	s0 =	sor.u32 s1, s0  }
0xbb: {  	s0 =	sadd.s32 $0x8F2B, s0  }
0xbc: {  	[sflag:s0] =	ssyncadd.remote.s32 $0x1  }
0xbd: {  	_ =	sfence.sel $0xFFFF  }
0xbe: {  	[dreg:$0x0] =	wrdreg $0xFFFFFFFF;
	(pc) =	sbr.abs _section_cstart, $3  }
0xbf: {  	[dreg:$0x1] =	wrdreg $0xFFFFFFFF  }
0xc0: {  	_ =	task.clear_ibuf [dreg:s6], $0x2FFFF;
	_ =	strace $0x9FFFFFFF  }
0xc1: {  	(tm) =	ssettm $0x7FFFFFFF  }
tec
execute0_lowered:
.L_overlay_start_1:
0x0: {  	(tag) =	ssettag $0x1  }
0x1: {  	s2 =	rddreg [dreg:$0x0]  }
0x2: {  	s0 =	rddreg [dreg:$0x1];
	s1 =	simm.s32 $0x0;
	s3 =	srdreg.scid  }
0x3: {  	s9 =	simm.s32 $0xE000;
	s10 =	simm.s32 $0xF000;
	s11 =	simm.s32 $0x0  }
0x4: {  	[smem:$0x7FF] =	sst s1;
	s6 =	sand.u32 $0x1, s3;
	s3 =	sadd.s32 $0x1600, s2  }
0x5: {  	s4 =	sadd.s32 $0x3200, s2;
	s5 =	sadd.s32 $0x13200, s2;
	s7 =	ssub.s32 $0x2, s6  }
0x6: {  	s2 =	stileid.u32;
	_ =	strace $0x80000047;
	s8 =	sshrl.u32 s7, $0x1  }
0x7: {  	s31 =	sshll.u32 s2, $0x3;
	s6 =	sshll.u32 s6, $0x2;
	s7 =	ssub.s32 s7, s8  }
0x8: {  	s6 =	sor.u32 s6, s31;
	s8 =	simm.s32 $0x1;
	s7 =	smax.u32 s7, $0x1  }
.LBB2_1:
0x9: {  	[tilespmem:s1], [sflag:$0x1] =	stream.linear.gather [hbm4b:s3+s1], $0xE000, $0x38;
	[tilespmem:$0x13000] =	vst v63  }
0xa: {  	_ =	swait.ge [sflag:s8], $0xE000  }
0xb: {  	[sflag:s8] =	ssyncset.done $0x0  }
0xc: {  	s12 =	simm.s32 $0x0;
	[sflag:s8] =	ssyncadd.s32 $0xFFFF2000  }
.LBB2_2:
0xd: {  	s14 =	sadd.s32 s6, s12  }
0xe: {  	s13 =	sshll.u32 s14, $0x9  }
0xf: {  	s15 =	sadd.s32 s4, s13;
	s13 =	simm.s32 $0x0  }
0x10: {  	[tilespmem:s9], [sflag:$0x1] =	stream.linear.gather [hbm4b:s15+s13], $0x1000, $0x38;
	[tilespmem:$0x13000] =	vst v63  }
0x11: {  	_ =	swait.ge [sflag:s8], $0x1000  }
0x12: {  	s14 =	sshll.u32 s14, $0xE;
	[sflag:s8] =	ssyncset.done $0x0  }
0x13: {  	s14 =	sadd.s32 s5, s14;
	[sflag:s8] =	ssyncadd.s32 $0xFFFFF000  }
.LBB2_3:
0x14: {  	s15 =	sshll.u32 s13, $0x4;
	s16 =	simm.s32 $0x0  }
.LBB2_4:
0x15: {  	s17 =	simm.s32 $0x0;
	s18 =	simm.s32 $0x0  }
0x16: {  	s19 =	sand.u32 $0x70, s17;
	s29 =	sand.u32 $0x3FFFFE00, s18  }
0x17: {  	s17 =	sor.u32 s19, s29  }
0x18: {  	v1 =	vld [tilespmem:s17+$0xE000]  }
0x19: {  	s30 =	sadd.s32 s15, s16  }
0x1a: {  	s18 =	smul.u32 $0x1C0, s30;
	v2 =	vld [tilespmem:s17+$0xE080];
	_ =	sdelay $0x1  }
0x1b: {  	v0 =	vmov s18;
	v3 =	vld [tilespmem:s17+$0xE100]  }
0x1c: {  	v1 =	vadd.s32 v0, v1;
	_ =	sdelay $0x1  }
0x1d: {  	v2 =	vadd.s32 v0, v2;
	_ =	sdelay $0x1  }
0x1e: {  	v3 =	vadd.s32 v0, v3  }
0x1f: {  	v1 =	vld.idx.msk [tilespmem:v1+s1+$0x0], $0xffff;
	_ =	sdelay $0x1  }
0x20: {  	v2 =	vld.idx.msk [tilespmem:v2+s1+$0x0], $0xffff;
	_ =	sdelay $0x1  }
0x21: {  	v3 =	vld.idx.msk [tilespmem:v3+s1+$0x0], $0xffff  }
0x22: {  	s17 =	sand.u32 $0x8, s16;
	v1 =	vadd.f32 $0.0e+00, v1  }
0x23: {  	s31 =	sshll.u32 s16, $0x7;
	s20 =	simm.s32 $0x1;
	s21 =	sadd.s32 $0x0, s17  }
0x24: {  	s24 =	simm.s32 $0x40;
	s18 =	sand.u32 $0x380, s31;
	s21 =	sshll.u32 s21, $0xA;
	v1 =	vadd.f32 v2, v1  }
0x25: {  	s18 =	sor.u32 $0xF000, s18;
	s25 =	sand.u32 $0x3FFFFC00, s21;
	s21 =	simm.s32 $0x10  }
0x26: {  	s22 =	simm.s32 $0x2;
	s23 =	sand.u32 $0x70, s21;
	s25 =	sadd.s32 s25, s18;
	v1 =	vadd.f32 v3, v1  }
.LBB2_5:
0x27: {  	p0 =	sne.s32 s22, $0x3F;
	s24 =	sand.u32 $0x3FFFFE00, s24;
	s19 =	sadd.s32 s19, s25  }
0x28: {  	s24 =	sor.u32 s23, s24;
	[tilespmem:s19+$0x0] =	vst v1;
	s19 =	smov.u32 s23  }
0x29: {  	v1 =	vld [tilespmem:s24+$0xE000];
	_ =	sdelay $0x1  }
0x2a: {  	v2 =	vld [tilespmem:s24+$0xE080];
	_ =	sdelay $0x1  }
0x2b: {  	v3 =	vld [tilespmem:s24+$0xE100]  }
0x2c: {  	v1 =	vadd.s32 v0, v1;
	_ =	sdelay $0x1  }
0x2d: {  	v2 =	vadd.s32 v0, v2;
	_ =	sdelay $0x1  }
0x2e: {  	v3 =	vadd.s32 v0, v3  }
0x2f: {  	v1 =	vld.idx.msk [tilespmem:v1+s1+$0x0], $0xffff;
	_ =	sdelay $0x1  }
0x30: {  	v2 =	vld.idx.msk [tilespmem:v2+s1+$0x0], $0xffff;
	_ =	sdelay $0x1  }
0x31: {  	v3 =	vld.idx.msk [tilespmem:v3+s1+$0x0], $0xffff;
	_ =	sdelay $0x1  }
.Ltmp0:
0x32: {  	s23 =	sshrl.u32 s20, $0x3;
	s20 =	smov.u32 s22;
	v1 =	vadd.f32 $0.0e+00, v1;
	(pc) =	sbr.rel @p0 .LBB2_5-.Ltmp0, $4  }
0x33: {  	s23 =	sadd.s32 s17, s23  }
0x34: {  	s23 =	sshll.u32 s23, $0xA;
	v1 =	vadd.f32 v2, v1  }
0x35: {  	s21 =	sadd.s32 $0x10, s21;
	s25 =	sand.u32 $0x3FFFFC00, s23;
	s24 =	sshll.u32 s22, $0x6  }
0x36: {  	s23 =	sand.u32 $0x70, s21;
	s25 =	sadd.s32 s25, s18;
	s22 =	sadd.s32 $0x1, s22;
	v1 =	vadd.f32 v3, v1  }
0x37: {  	s21 =	sand.u32 $0x3FFFFE00, s24;
	s19 =	sadd.s32 s19, s25  }
0x38: {  	s21 =	sor.u32 s23, s21;
	[tilespmem:s19+$0x0] =	vst v1  }
0x39: {  	v1 =	vld [tilespmem:s21+$0xE000];
	_ =	sdelay $0x1  }
0x3a: {  	v2 =	vld [tilespmem:s21+$0xE080];
	_ =	sdelay $0x1  }
0x3b: {  	v3 =	vld [tilespmem:s21+$0xE100]  }
0x3c: {  	v1 =	vadd.s32 v0, v1;
	_ =	sdelay $0x1  }
0x3d: {  	v2 =	vadd.s32 v0, v2;
	_ =	sdelay $0x1  }
0x3e: {  	v63 =	vadd.s32 v0, v3  }
0x3f: {  	v1 =	vld.idx.msk [tilespmem:v1+s1+$0x0], $0xffff;
	_ =	sdelay $0x1  }
0x40: {  	v2 =	vld.idx.msk [tilespmem:v2+s1+$0x0], $0xffff;
	_ =	sdelay $0x1  }
0x41: {  	v0 =	vld.idx.msk [tilespmem:v63+s1+$0x0], $0xffff  }
0x42: {  	s31 =	sshrl.u32 s20, $0x3;
	s16 =	sadd.s32 $0x1, s16;
	v1 =	vadd.f32 $0.0e+00, v1  }
0x43: {  	s17 =	sadd.s32 s17, s31;
	p0 =	sne.s32 s16, $0x10  }
.Ltmp1:
0x44: {  	s17 =	sshll.u32 s17, $0xA;
	v1 =	vadd.f32 v2, v1;
	(pc) =	sbr.rel @p0 .LBB2_4-.Ltmp1, $4  }
0x45: {  	s17 =	sand.u32 $0x3FFFFC00, s17  }
0x46: {  	s17 =	sadd.s32 s17, s18;
	v0 =	vadd.f32 v0, v1  }
0x47: {  	s17 =	sadd.s32 s23, s17  }
0x48: {  	[tilespmem:s17+$0x0] =	vst v0  }
0x49: {  	s15 =	sshll.u32 s13, $0xB;
	s13 =	sadd.s32 $0x1, s13  }
0x4a: {  	p0 =	sne.s32 s13, $0x8  }
.Ltmp2:
0x4b: {  	s15 =	sadd.s32 s15, s14;
	(pc) =	sbr.rel @p0 .LBB2_3-.Ltmp2, $4  }
0x4c: {  	[hbm4b:s15+s1] =	stream.linear.scatter [tilespmem:s10], [sflag:$0x1], $0x4000, $0x38;
	[tilespmem:$0x13000] =	vst v63  }
0x4d: {  	_ =	swait.ge [sflag:s8], $0x4000  }
0x4e: {  	[sflag:s8] =	ssyncset.done $0x0  }
0x4f: {  	[sflag:s8] =	ssyncadd.s32 $0xFFFFC000  }
0x50: {  	s12 =	sadd.s32 $0x1, s12  }
0x51: {  	p0 =	sne.s32 s12, $0x4  }
.Ltmp3:
0x52: {  	_ = 	snop;
	(pc) =	sbr.rel @p0 .LBB2_2-.Ltmp3, $1  }
0x53: {  	_ =	sdelay $0x3  }
0x54: {  	s11 =	sadd.s32 $0x1, s11  }
0x55: {  	p0 =	sne.s32 s11, s7  }
.Ltmp4:
0x56: {  	_ = 	snop;
	(pc) =	sbr.rel @p0 .LBB2_1-.Ltmp4, $1  }
0x57: {  	_ =	sdelay $0x3  }
0x58: {  	_ =	sfence.sel $0x180000  }
0x59: {  	[bflag:$0x0] =	sbarrier.arrive $0xFFFF  }
0x5a: {  	p0 =	sne.s32 s2, $0x0;
	_ =	strace $0x90000047  }
0x5b: {  	s0 =	sadd.s32 @!p0 $0x100000, s0;
	[bflag:$0x2] =	sbarrier.arrive $0xFFFF  }
0x5c: {  	[sflag:s0] =	ssyncadd.tile.s32 @!p0 $0x1;
	_ =	shalt  }
.Lfunc_end2:
_tile_overlayer_lowered:
.L_overlay_start_2:
0x5d: {  	(tag) =	ssettag $0x2  }
0x5e: {  	s0 =	rddreg [dreg:$0x0];
	s2 =	stileid.u32  }
0x5f: {  	s1 =	rddreg [dreg:$0x1];
	p0 =	sne.s32 s2, $0x0  }
0x60: {  	s3 =	rddreg [dreg:$0x2];
	[bflag:$0x3] =	sbarrier.arrive $0xFFFF;
	s2 =	simm.s32 @!p0 $0x1C01  }
0x61: {  	[timem:s3], [sflag:s2] =	dma.local @!p0 [hbm:s0], s1  }
0x62: {  	s0 =	simm.s32 @!p0 $0x1  }
0x63: {  	_ =	swait.ge @!p0 [sflag:s0], s1  }
0x64: {  	s1 =	ssub.s32 @!p0 $0x0, s1;
	[sflag:s0] =	ssyncset.done @!p0 $0x0  }
0x65: {  	[sflag:s0] =	ssyncadd.s32 @!p0 s1  }
0x66: {  	[bflag:$0x3] =	sbarrier.arrive $0xFFFF  }
0x67: {  	_ =	shalt  }

// kernel: sparse-core-data-format-call.cloned.1.call-start
scs
called_computation_lowered:
.L_overlay_start_0:
0x0: {  	s2 =	sld [smem:$0x3FD9]  }
0x1: {  	s3 =	sld [smem:$0x3FFE];
	_ =	sdelay $0x1  }
0x2: {  	s1 =	srdreg.scid  }
0x3: {  	s0 =	sand.u32 $0x1, s1  }
0x4: {  	s18 =	sshll.u32 s0, $0xA;
	s2 =	sadd.s32 s3, s2  }
0x5: {  	s2 =	sadd.s32 s2, s18  }
0x6: {  	[smem:$0x3FC6] =	sst s2  }
0x7: {  	_ = 	snop  }
0x8: {  	s2 =	sld [smem:$0x3FD0];
	(tm) =	ssettm $0x1  }
0x9: {  	s19 =	sld [smem:$0x3FFB];
	_ =	sdelay $0x3  }
0xa: {  	_ =	strace s19  }
0xb: {  	s3 =	sld [smem:$0x3FFC];
	_ =	sdelay $0x3  }
0xc: {  	_ =	strace s3  }
0xd: {  	s3 =	sld [smem:$0x3FFD];
	_ =	sdelay $0x3  }
0xe: {  	_ =	strace s3  }
0xf: {  	_ =	strace $0x8FFFFFFF  }
0x10: {  	s20 =	sld [smem:$0x3FDB];
	_ =	sdelay $0x1  }
0x11: {  	s4 =	simm.s32 $_scs_section_size  }
0x12: {  	s5 =	simm.s32 $_size__tile_overlayer_lowered;
	s6 =	simm.s32 $_tile_overlayer_lowered  }
0x13: {  	s23 =	simm.s32 $0x1BFF;
	s22 =	sshll.u32 s6, $0x1;
	s3 =	sadd.s32 s4, s20  }
0x14: {  	s7 =	simm.s32 $0x0;
	s21 =	sshll.u32 s5, $0x1;
	s5 =	sadd.s32 s22, s3  }
0x15: {  	[timem:s7], [sflag:s23] =	dma.local [hbm:s5], s21  }
0x16: {  	_ =	swait.ge [sflag:s23], s21  }
0x17: {  	s4 =	ssub.s32 $0x0, s21;
	[sflag:s23] =	ssyncset.done $0x0  }
0x18: {  	[sflag:s23] =	ssyncadd.s32 s4;
	_ =	sdelay $0x1  }
0x19: {  	s24 =	simm.s32 $0x1B8B  }
0x1a: {  	_ =	swait.ge [sflag:s24], $0x1  }
0x1b: {  	[sflag:s24] =	ssyncset.done $0x0  }
0x1c: {  	s26 =	simm.s32 $0x1B8E;
	s25 =	sld [smem:$0x3FFE];
	[sflag:s24] =	ssyncadd.s32 $0xFFFFFFFF  }
0x1d: {  	s27 =	simm.s32 $execute0_lowered;
	[smem:$0x3FD2] =	sst s26  }
0x1e: {  	s5 =	sshll.u32 s27, $0x1;
	_ =	strace $0x80000049;
	[dreg:$0x1] =	wrdreg $0xFFFFFFFF  }
0x1f: {  	s28 =	simm.s32 $_size_execute0_lowered;
	s3 =	sadd.s32 s3, s5;
	[dreg:$0x0] =	wrdreg $0x0  }
0x20: {  	s5 =	sshll.u32 s28, $0x1;
	[dreg:$0x2] =	wrdreg s3  }
0x21: {  	[dreg:$0x3] =	wrdreg s5  }
0x22: {  	[dreg:$0x4] =	wrdreg $0xC0  }
0x23: {  	_ =	task [dreg:s7], $0x5FFFF  }
0x24: {  	[dreg:$0x1] =	wrdreg $0xFFFFFFFF  }
0x25: {  	[dreg:$0x0] =	wrdreg $0x60  }
0x26: {  	[dreg:$0x2] =	wrdreg s25  }
0x27: {  	[dreg:$0x3] =	wrdreg s2  }
0x28: {  	[dreg:$0x4] =	wrdreg $0x9  }
0x29: {  	_ =	task.clear_ibuf [dreg:s7], $0x5FFFF;
	_ =	strace $0x90000049  }
0x2a: {  	s29 =	simm.s32 $0x9;
	_ =	strace $0x8000004B  }
0x2b: {  	_ =	swait.ge [sflag:s29], $0x1  }
0x2c: {  	[sflag:s29] =	ssyncadd.s32 $0xFFFFFFFF  }
0x2d: {  	_ =	strace $0x9000004B  }
0x2e: {  	_ =	sfence  }
0x2f: {  	s30 =	sld [smem:$0x0];
	_ =	sdelay $0x2  }
0x30: {  	s31 =	sshll.u32 s1, $0xD;
	s1 =	sshrl.u32 s1, $0x2  }
0x31: {  	s3 =	sand.u32 $0x4000, s31;
	s1 =	sadd.s32 s1, s30  }
0x32: {  	s0 =	sor.u32 s3, s0;
	s1 =	sshll.u32 s1, $0x11  }
0x33: {  	s0 =	sor.u32 s1, s0  }
0x34: {  	s0 =	sadd.s32 $0x8F2B, s0  }
0x35: {  	[sflag:s0] =	ssyncadd.remote.s32 $0x1  }
0x36: {  	_ =	sfence.sel $0xFFFF  }
0x37: {  	[dreg:$0x0] =	wrdreg $0xFFFFFFFF;
	(pc) =	sbr.abs _section_cstart, $3  }
0x38: {  	[dreg:$0x1] =	wrdreg $0xFFFFFFFF  }
0x39: {  	_ =	task.clear_ibuf [dreg:s7], $0x2FFFF;
	_ =	strace $0x9FFFFFFF  }
0x3a: {  	(tm) =	ssettm $0x7FFFFFFF  }
0x3b: {  	_ =	shalt  }
tec
execute0_lowered:
.L_overlay_start_1:
0x0: {  	(tag) =	ssettag $0x1  }
0x1: {  	s1 =	rddreg [dreg:$0x0]  }
0x2: {  	s2 =	rddreg [dreg:$0x1]  }
0x3: {  	s0 =	rddreg [dreg:$0x2];
	_ =	strace $0x8000004A;
	s4 =	srdreg.scid  }
0x4: {  	s6 =	simm.s32 $0x2;
	s12 =	simm.s32 $0x0;
	p0 =	por $0x0, $0x0  }
.Ltmp0:
0x5: {  	s10 =	simm.s32 $0x0;
	s11 =	simm.s32 $0x0;
	(pc) =	sbr.rel .LBB1_1-.Ltmp0, $4  }
0x6: {  	s7 =	simm.s32 $0x0;
	s3 =	sadd.s32 $0x213200, s1;
	s5 =	sshll.u32 s4, $0x4  }
0x7: {  	s1 =	stileid.u32;
	s4 =	simm.s32 $0x1;
	s5 =	sand.u32 $0x10, s5  }
0x8: {  	s8 =	simm.s32 $0x0;
	[sflag:s4] =	ssyncpa.u1 $0x0;
	s5 =	sor.u32 s1, s5  }
0x9: {  	[sflag:s6] =	ssyncpa.u1 $0x0;
	s6 =	simm.s32 $0x0;
	s9 =	smov.u32 s5  }
.LBB1_5:
0xa: {  	s13 =	sadd.s32 $0x80, s7  }
0xb: {  	s10 =	sadd.s32 $0x80, s8;
	s14 =	smov.u32 s8;
	p2 =	sgt.s32 s13, $0x3FF  }
0xc: {  	s14 =	smov.u32 @p2 s10  }
0xd: {  	s16 =	smov.u32 s9;
	s10 =	sadd.s32 $0x20, s9;
	p3 =	sgt.s32 s14, $0x7F  }
0xe: {  	p1 =	slt.u32 s6, $0x2;
	s16 =	smov.u32 @p3 s10  }
0xf: {  	s6 =	sadd.s32 $0x1, s6;
	s13 =	simm.s32 @p2 $0x0;
	p2 =	sgt.s32 s16, $0x3FF  }
0x10: {  	s16 =	smov.u32 @p2 s5;
	p2 =	sne.s32 s6, $0x102  }
.Ltmp1:
0x11: {  	s15 =	simm.s32 @!p1 $0x2;
	(pc) =	sbr.rel @!p2 .LBB1_6-.Ltmp1, $4  }
0x12: {  	s12 =	smov.u32 s7;
	_ =	swait.ge @!p1 [sflag:s15], $0x4000  }
0x13: {  	s11 =	smov.u32 s9;
	p0 =	por !p0, !p0;
	[sflag:s15] =	ssyncset.done @!p1 $0x0  }
0x14: {  	s7 =	smov.u32 s13;
	s14 =	simm.s32 @p3 $0x0;
	s10 =	smov.u32 s8  }
0x15: {  	[sflag:s15] =	ssyncadd.s32 @!p1 $0xFFFFC000;
	s8 =	smov.u32 s14;
	s9 =	smov.u32 s16  }
.LBB1_1:
0x16: {  	p1 =	sgt.u32 s6, $0xFF  }
0x17: {  	s13 =	sshll.u32 @!p1 s8, $0x7  }
0x18: {  	s14 =	sxor.u32 @!p1 $0xFFFFFFFF, s6;
	s15 =	sand.u32 @!p1 $0x78, s7;
	s16 =	sand.u32 @!p1 $0x380, s13  }
0x19: {  	s14 =	sshll.u32 @!p1 s14, $0xE;
	s15 =	sor.u32 @!p1 s15, s16;
	s16 =	sshll.u32 @!p1 s9, $0xE  }
0x1a: {  	s13 =	sand.u32 @!p1 $0x3C00, s13;
	s15 =	sshrl.u32 @!p1 s15, $0x3;
	s16 =	sadd.s32 @!p1 s3, s16  }
0x1b: {  	s13 =	sadd.s32 @!p1 s7, s13;
	s15 =	sadd.s32 @!p1 s15, s16;
	s16 =	sand.u32 @!p1 $0x7, s7  }
0x1c: {  	s14 =	sand.u32 @!p1 $0x4000, s14;
	s13 =	sand.u32 @!p1 $0x3F80, s13;
	s16 =	sshll.u32 @!p1 s16, $0x12  }
0x1d: {  	s13 =	sadd.s32 @!p1 s13, s15;
	s15 =	sor.u32 @!p1 $0x400, s16;
	s16 =	simm.s32 @!p1 $0x2000  }
0x1e: {  	[tilespmem:s14], [sflag:$0x1] =	stream.strided.gather @!p1 [hbm4b:s13+s15], $0x4000, s16, s15, $0x38;
	[tilespmem:$0x10100] =	vst v63  }
0x1f: {  	p1 =	seq.s32 s6, $0x0  }
0x20: {  	p2 =	seq.s32 @!p1 s6, $0x101  }
0x21: {  	p1 =	por p1, p2  }
.Ltmp2:
0x22: {  	_ = 	snop;
	(pc) =	sbr.rel @p1 .LBB1_5-.Ltmp2, $1  }
0x23: {  	_ =	sdelay $0x3  }
0x24: {  	s13 =	simm.s32 $0x1  }
0x25: {  	_ =	swait.ge [sflag:s4], $0x4000;
	s13 =	simm.s32 @!p0 $0x0  }
0x26: {  	[sflag:s4] =	ssyncset.done $0x0;
	s14 =	sshll.u32 s13, $0xE  }
0x27: {  	[sflag:s4] =	ssyncadd.s32 $0xFFFFC000;
	s16 =	sor.u32 $0x40, s14  }
0x28: {  	s13 =	smul.u32 $0x10200, s13;
	v0 =	vld [tilespmem:s16+$0x30]  }
0x29: {  	v3 =	vld [tilespmem:s16+$0xFFFFFFD0]  }
0x2a: {  	s13 =	sshrl.u32 s13, $0x2;
	v4 =	vld [tilespmem:s16+$0xFFFFFFE0]  }
0x2b: {  	v5 =	vld [tilespmem:s16+$0xFFFFFFF0];
	s14 =	sor.u32 $0x8000, s13  }
0x2c: {  	s31 =	sand.u32 $0x1, s6;
	v1 =	vld [tilespmem:s16+$0x0];
	s15 =	sadd.s32 $0x0, s14  }
0x2d: {  	v2 =	vld [tilespmem:s16+$0x10];
	s13 =	smul.u32 $0x10200, s31;
	[tilespmem:s15+$0x3870 ss:$0x81] =	vst.msk $0xffff, v0  }
0x2e: {  	[tilespmem:s15+$0x810 ss:$0x81] =	vst.msk $0xffff, v3;
	v3 =	vld [tilespmem:s16+$0x20]  }
0x2f: {  	s13 =	sshrl.u32 s13, $0x2;
	v0 =	vld [tilespmem:s16+$0xFFFFFFC0];
	[tilespmem:s15+$0x1020 ss:$0x81] =	vst.msk $0xffff, v4;
	s16 =	sadd.s32 $0x80, s16  }
0x30: {  	s17 =	simm.s32 $0x4;
	s18 =	simm.s32 $0x8;
	s13 =	sor.u32 $0x8000, s13;
	[tilespmem:s15+$0x1830 ss:$0x81] =	vst.msk $0xffff, v5;
	v4 =	vld [tilespmem:s16+$0x30]  }
.LBB1_3:
0x31: {  	p1 =	sne.s32 s18, $0x1FC;
	v5 =	vld [tilespmem:s16+$0xFFFFFFD0];
	[tilespmem:s15+$0x2040 ss:$0x81] =	vst.msk $0xffff, v1  }
0x32: {  	v6 =	vld [tilespmem:s16+$0xFFFFFFE0];
	[tilespmem:s15+$0x2850 ss:$0x81] =	vst.msk $0xffff, v2  }
0x33: {  	s19 =	sshra.s32 s17, $0x2;
	s17 =	smov.u32 s18;
	v7 =	vld [tilespmem:s16+$0xFFFFFFF0];
	[tilespmem:s15+$0x3060 ss:$0x81] =	vst.msk $0xffff, v3  }
.Ltmp3:
0x34: {  	v1 =	vld [tilespmem:s16+$0x0];
	[tilespmem:s15+$0x0 ss:$0x81] =	vst.msk $0xffff, v0;
	s15 =	sadd.s32 s19, s14;
	(pc) =	sbr.rel @p1 .LBB1_3-.Ltmp3, $4  }
0x35: {  	v2 =	vld [tilespmem:s16+$0x10];
	[tilespmem:s15+$0x3870 ss:$0x81] =	vst.msk $0xffff, v4  }
0x36: {  	[tilespmem:s15+$0x810 ss:$0x81] =	vst.msk $0xffff, v5;
	v3 =	vld [tilespmem:s16+$0x20]  }
0x37: {  	v0 =	vld [tilespmem:s16+$0xFFFFFFC0];
	[tilespmem:s15+$0x1020 ss:$0x81] =	vst.msk $0xffff, v6;
	s16 =	sadd.s32 $0x80, s16  }
0x38: {  	s18 =	sadd.s32 $0x4, s18;
	v4 =	vld [tilespmem:s16+$0x30];
	[tilespmem:s15+$0x1830 ss:$0x81] =	vst.msk $0xffff, v7  }
0x39: {  	v5 =	vld [tilespmem:s16+$0xFFFFFFD0];
	[tilespmem:s15+$0x2040 ss:$0x81] =	vst.msk $0xffff, v1  }
0x3a: {  	v58 =	vld [tilespmem:s16+$0xFFFFFFE0];
	[tilespmem:s15+$0x2850 ss:$0x81] =	vst.msk $0xffff, v2  }
0x3b: {  	s17 =	sshra.s32 s17, $0x2;
	v59 =	vld [tilespmem:s16+$0xFFFFFFF0];
	[tilespmem:s15+$0x3060 ss:$0x81] =	vst.msk $0xffff, v3  }
0x3c: {  	v60 =	vld [tilespmem:s16+$0x0];
	s14 =	sadd.s32 s17, s14;
	[tilespmem:s15+$0x0 ss:$0x81] =	vst.msk $0xffff, v0  }
0x3d: {  	v61 =	vld [tilespmem:s16+$0x10];
	[tilespmem:s14+$0x3870 ss:$0x81] =	vst.msk $0xffff, v4  }
0x3e: {  	v62 =	vld [tilespmem:s16+$0x20];
	s12 =	sshll.u32 s12, $0x7;
	s28 =	sshll.u32 s10, $0x3;
	[tilespmem:s14+$0x810 ss:$0x81] =	vst.msk $0xffff, v5  }
0x3f: {  	v63 =	vld [tilespmem:s16+$0xFFFFFFC0];
	s29 =	sand.u32 $0x1FC00, s12;
	s15 =	sand.u32 $0x1FC00, s28;
	[tilespmem:s14+$0x1020 ss:$0x81] =	vst.msk $0xffff, v58  }
0x40: {  	s11 =	sshll.u32 s11, $0xE;
	s12 =	sand.u32 $0x380, s12;
	s15 =	sadd.s32 s15, s29;
	[tilespmem:s14+$0x1830 ss:$0x81] =	vst.msk $0xffff, v59  }
.Ltmp4:
0x41: {  	s30 =	sshrl.u32 s10, $0x3;
	[tilespmem:s14+$0x2040 ss:$0x81] =	vst.msk $0xffff, v60;
	s12 =	sor.u32 s12, s15;
	(pc) =	sbr.rel .LBB1_5-.Ltmp4, $4  }
0x42: {  	s11 =	sadd.s32 s2, s11;
	[tilespmem:s14+$0x2850 ss:$0x81] =	vst.msk $0xffff, v61;
	s15 =	sand.u32 $0xF, s30;
	s12 =	sshrl.u32 s12, $0x3  }
0x43: {  	[tilespmem:s14+$0x3060 ss:$0x81] =	vst.msk $0xffff, v62;
	s11 =	sadd.s32 s15, s11;
	s12 =	sand.u32 $0x3FF0, s12  }
0x44: {  	s31 =	sand.u32 $0x7, s10;
	[tilespmem:s14+$0x0 ss:$0x81] =	vst.msk $0xffff, v63;
	s11 =	sadd.s32 s12, s11  }
0x45: {  	[hbm4b:s11+s31] =	stream.linear.scatter [tilespmem:s13], [sflag:$0x2], $0x4000, $0x20;
	[tilespmem:$0x10100] =	vst v63  }
.LBB1_6:
0x46: {  	_ =	sfence.sel $0x180000  }
0x47: {  	s2 =	simm.s32 $0x1;
	[bflag:$0x0] =	sbarrier.arrive $0xFFFF  }
0x48: {  	s31 =	simm.s32 $0x2;
	[sflag:s2] =	ssyncpa.u1 $0x1  }
0x49: {  	[sflag:s31] =	ssyncpa.u1 $0x1  }
0x4a: {  	p0 =	sne.s32 s1, $0x0;
	_ =	strace $0x9000004A  }
0x4b: {  	s0 =	sadd.s32 @!p0 $0x100000, s0;
	[bflag:$0x2] =	sbarrier.arrive $0xFFFF  }
0x4c: {  	[sflag:s0] =	ssyncadd.tile.s32 @!p0 $0x1;
	_ =	shalt  }
.Lfunc_end1:
_tile_overlayer_lowered:
.L_overlay_start_2:
0x4d: {  	(tag) =	ssettag $0x2  }
0x4e: {  	s0 =	rddreg [dreg:$0x0];
	s2 =	stileid.u32  }
0x4f: {  	s1 =	rddreg [dreg:$0x1];
	p0 =	sne.s32 s2, $0x0  }
0x50: {  	s3 =	rddreg [dreg:$0x2];
	[bflag:$0x3] =	sbarrier.arrive $0xFFFF;
	s2 =	simm.s32 @!p0 $0x1C01  }
0x51: {  	[timem:s3], [sflag:s2] =	dma.local @!p0 [hbm:s0], s1  }
0x52: {  	s0 =	simm.s32 @!p0 $0x1  }
0x53: {  	_ =	swait.ge @!p0 [sflag:s0], s1  }
0x54: {  	s1 =	ssub.s32 @!p0 $0x0, s1;
	[sflag:s0] =	ssyncset.done @!p0 $0x0  }
0x55: {  	[sflag:s0] =	ssyncadd.s32 @!p0 s1  }
0x56: {  	[bflag:$0x3] =	sbarrier.arrive $0xFFFF  }
0x57: {  	_ =	shalt  }

</sc_bundles>
